<compile_context>
chip_gen: v7x
topology: tpu7x:2x2x1
jax: 0.10.2.dev20260603
libtpu: 0.0.44.dev20260713+nightly
codegen_flags: <defaults>
</compile_context>

<pallas_src>
import functools

import jax
import jax.numpy as jnp
from jax import lax
from jax.experimental import pallas as pl
from jax.experimental.pallas import tpu as pltpu
from jax.experimental.pallas import tpu_sc as plsc

_N_TOKENS = 10
_B = 1024
_L = 210
_D = 64
_CONTENT = _L - _N_TOKENS
_NUM_WORKERS = 32
_BPW = _B // _NUM_WORKERS
_G = 4
_NCHUNK = _BPW // _G
_NBUF = 2
_VOCAB2 = 2_000_000


def _soft_embedding_sc(idx, wte2, learned_embedding):
    mesh = plsc.VectorSubcoreMesh(core_axis_name="c", subcore_axis_name="s")

    @functools.partial(
        pl.kernel,
        mesh=mesh,
        out_type=jax.ShapeDtypeStruct((_B, _L, _D), jnp.float32),
        scratch_types=[
            pltpu.VMEM((_BPW, _CONTENT), jnp.int32),
            pltpu.VMEM((_NBUF, _G, _L, _D), jnp.float32),
            pltpu.SemaphoreType.DMA,
            pltpu.SemaphoreType.DMA,
            pltpu.SemaphoreType.DMA,
            pltpu.SemaphoreType.DMA,
        ],
        compiler_params=pltpu.CompilerParams(use_tc_tiling_on_sc=False),
    )
    def k(idx_hbm, wte_hbm, le_hbm, out_hbm, idx_v, bufs, sg0, sg1, sw0, sw1):
        wid = lax.axis_index("s") * 2 + lax.axis_index("c")
        base = wid * _BPW
        sem_g = (sg0, sg1)
        sem_w = (sw0, sw1)

        pltpu.sync_copy(idx_hbm.at[pl.ds(base, _BPW)], idx_v)
        for p in range(_NBUF):
            for b in range(_G):
                pltpu.sync_copy(le_hbm, bufs.at[p, b, pl.ds(0, _N_TOKENS)])

        def gather_descs(g, p, issue):
            for b in range(_G):
                src = wte_hbm.at[idx_v.at[g * _G + b]]
                dst = bufs.at[p, b, pl.ds(_N_TOKENS, _CONTENT)]
                if issue:
                    pltpu.async_copy(src, dst, sem_g[p])
                else:
                    pltpu.make_async_copy(src, dst, sem_g[p]).wait()

        def write_desc(g, p, issue):
            src = bufs.at[p]
            dst = out_hbm.at[pl.ds(base + g * _G, _G)]
            if issue:
                pltpu.async_copy(src, dst, sem_w[p])
            else:
                pltpu.make_async_copy(src, dst, sem_w[p]).wait()

        gather_descs(0, 0, True)
        gather_descs(1, 1, True)

        def body(g2, carry):
            for p in range(_NBUF):
                g = g2 * _NBUF + p
                gather_descs(g, p, False)
                write_desc(g, p, True)

            @pl.when(g2 < _NCHUNK // _NBUF - 1)
            def _():
                for p in range(_NBUF):
                    g = g2 * _NBUF + p
                    write_desc(g, p, False)
                    gather_descs(g + _NBUF, p, True)

            return carry

        lax.fori_loop(0, _NCHUNK // _NBUF, body, 0)
        write_desc(_NCHUNK - 2, 0, False)
        write_desc(_NCHUNK - 1, 1, False)

    return k(idx, wte2, learned_embedding)


def kernel(tokens, wte, learned_embedding):
    wte2 = jnp.pad(wte, ((0, 0), (0, _D))).reshape(_VOCAB2, _D)
    idx = tokens[:, _N_TOKENS:] * 2
    return _soft_embedding_sc(idx, wte2, learned_embedding)

# --- scband reference (transcript-rebuilt; emitter-appended) ---
"""Pipeline reference for scband-soft-embedding-1924145349078 (READ-ONLY COPY).

The authoritative reference and input builder live on the scoring server;
editing this copy changes nothing except your own understanding.
"""

import jax, jax.numpy as jnp
import numpy as np

N_TOKENS = 10
VOCAB = 1000000
D = 64
B = 1024
L = 210  # n_tokens + content length (200)


def setup_inputs(seed: int = 0) -> dict:
    key = jax.random.key(seed)
    k1, k2, k3 = jax.random.split(key, 3)
    tokens = jax.random.randint(k1, (B, L), 0, VOCAB, dtype=jnp.int32)
    # Learned parameters: the wrapped embedding table (wte) and the soft-prompt
    # embedding (learned_embedding, initialized from vocab rows in the original).
    wte = jax.random.normal(k2, (VOCAB, D), dtype=jnp.float32) * 0.02
    learned_embedding = jax.random.normal(k3, (N_TOKENS, D), dtype=jnp.float32) * 0.02
    return {"tokens": tokens, "wte": wte, "learned_embedding": learned_embedding}


def reference(tokens, wte, learned_embedding):
    # input_embedding = self.wte(tokens[:, self.n_tokens:])
    input_embedding = jnp.take(wte, tokens[:, N_TOKENS:], axis=0)
    # learned_embedding.repeat(batch, 1, 1)
    le = jnp.broadcast_to(
        learned_embedding[None, :, :],
        (tokens.shape[0], N_TOKENS, learned_embedding.shape[1]),
    )
    # torch.cat([learned_embedding, input_embedding], 1)
    return jnp.concatenate([le, input_embedding], axis=1)

if __name__ == "__main__":
    import jax
    _d = setup_inputs()
    print(jax.jit(kernel)(*tuple(_d.values())))

</pallas_src>

<mosaic_0001>
#map = affine_map<(d0, d1) -> (0, 0)>
#map1 = affine_map<(d0, d1) -> (0, 0, 0)>
module attributes {stable_mosaic.version = 14 : i64} {
  func.func @k(%arg0: i32, %arg1: i32, %arg2: memref<1024x200xi32, #tpu.memory_space<hbm>>, %arg3: memref<2000000x64xf32, #tpu.memory_space<hbm>>, %arg4: memref<10x64xf32, #tpu.memory_space<hbm>>, %arg5: memref<1024x210x64xf32, #tpu.memory_space<hbm>>, %arg6: memref<32x200xi32, #tpu.memory_space<vmem>>, %arg7: memref<2x4x210x64xf32, #tpu.memory_space<vmem>>, %arg8: memref<!tpu.dma_semaphore, #tpu.memory_space<semaphore_mem>>, %arg9: memref<!tpu.dma_semaphore, #tpu.memory_space<semaphore_mem>>, %arg10: memref<!tpu.dma_semaphore, #tpu.memory_space<semaphore_mem>>, %arg11: memref<!tpu.dma_semaphore, #tpu.memory_space<semaphore_mem>>) attributes {dimension_semantics = [#tpu.dimension_semantics<core_parallel>, #tpu.dimension_semantics<subcore_parallel>], iteration_bounds = array<i64: 2, 16>, scalar_prefetch = 0 : i64, scratch_operands = 6 : i64, tpu.core_type = #tpu.core_type<sc_vector_subcore>, window_params = [{transform_indices = #map}, {transform_indices = #map}, {transform_indices = #map}, {transform_indices = #map1}]} {
    %mul3A = arith.constant 2 : i32
    %mul3A_0 = arith.muli %arg1, %mul3A : i32
    %add3A = arith.addi %mul3A_0, %arg0 : i32
    %mul3A_1 = arith.constant 32 : i32
    %mul3A_2 = arith.muli %add3A, %mul3A_1 : i32
    "tpu.region"() ({
      %run_scoped3A_163 = tpu.sem_alloc : memref<!tpu.dma_semaphore, #tpu.memory_space<semaphore_mem>>
      %dma_start3A_164 = arith.constant 0 : i32
      %dma_start3A_165 = tpu.memref_slice %arg2[%mul3A_2, %dma_start3A_164] : memref<1024x200xi32, #tpu.memory_space<hbm>> -> memref<32x200xi32, #tpu.memory_space<hbm>>
      %dma_start3A_166 = arith.constant 0 : i32
      %dma_start3A_167 = tpu.memref_slice %arg2[%mul3A_2, %dma_start3A_166] : memref<1024x200xi32, #tpu.memory_space<hbm>> -> memref<32x200xi32, #tpu.memory_space<hbm>>
      tpu.enqueue_dma source(%dma_start3A_167 : memref<32x200xi32, #tpu.memory_space<hbm>>) target(%arg6 : memref<32x200xi32, #tpu.memory_space<vmem>>) target_semaphore(%run_scoped3A_163 : memref<!tpu.dma_semaphore, #tpu.memory_space<semaphore_mem>>)
      %dma_wait3A_168 = arith.constant 0 : i32
      %dma_wait3A_169 = tpu.memref_slice %arg2[%mul3A_2, %dma_wait3A_168] : memref<1024x200xi32, #tpu.memory_space<hbm>> -> memref<32x200xi32, #tpu.memory_space<hbm>>
      %dma_wait3A_170 = arith.constant 0 : i32
      %dma_wait3A_171 = tpu.memref_slice %arg2[%mul3A_2, %dma_wait3A_170] : memref<1024x200xi32, #tpu.memory_space<hbm>> -> memref<32x200xi32, #tpu.memory_space<hbm>>
      tpu.wait_dma2 semaphore(%run_scoped3A_163 : memref<!tpu.dma_semaphore, #tpu.memory_space<semaphore_mem>>) src(%dma_wait3A_171 : memref<32x200xi32, #tpu.memory_space<hbm>>) dst(%arg6 : memref<32x200xi32, #tpu.memory_space<vmem>>)
      tpu.yield
    }) : () -> ()
    %run_scoped3A = arith.constant 0 : i32
    %run_scoped3A_3 = arith.constant 0 : i32
    "tpu.region"() ({
      %run_scoped3A_163 = tpu.sem_alloc : memref<!tpu.dma_semaphore, #tpu.memory_space<semaphore_mem>>
      %dma_start3A_164 = arith.constant 0 : i32
      %dma_start3A_165 = arith.constant 0 : i32
      %dma_start3A_166 = tpu.memref_slice %arg7[%run_scoped3A, %run_scoped3A_3, %dma_start3A_164, %dma_start3A_165] : memref<2x4x210x64xf32, #tpu.memory_space<vmem>> -> memref<1x1x10x64xf32, #tpu.memory_space<vmem>>
      %dma_start3A_167 = tpu.memref_squeeze %dma_start3A_166 : memref<1x1x10x64xf32, #tpu.memory_space<vmem>> -> memref<10x64xf32, #tpu.memory_space<vmem>>
      %dma_start3A_168 = arith.constant 0 : i32
      %dma_start3A_169 = arith.constant 0 : i32
      %dma_start3A_170 = tpu.memref_slice %arg7[%run_scoped3A, %run_scoped3A_3, %dma_start3A_168, %dma_start3A_169] : memref<2x4x210x64xf32, #tpu.memory_space<vmem>> -> memref<1x1x10x64xf32, #tpu.memory_space<vmem>>
      %dma_start3A_171 = tpu.memref_squeeze %dma_start3A_170 : memref<1x1x10x64xf32, #tpu.memory_space<vmem>> -> memref<10x64xf32, #tpu.memory_space<vmem>>
      tpu.enqueue_dma source(%arg4 : memref<10x64xf32, #tpu.memory_space<hbm>>) target(%dma_start3A_171 : memref<10x64xf32, #tpu.memory_space<vmem>>) target_semaphore(%run_scoped3A_163 : memref<!tpu.dma_semaphore, #tpu.memory_space<semaphore_mem>>)
      %dma_wait3A_172 = arith.constant 0 : i32
      %dma_wait3A_173 = arith.constant 0 : i32
      %dma_wait3A_174 = tpu.memref_slice %arg7[%run_scoped3A, %run_scoped3A_3, %dma_wait3A_172, %dma_wait3A_173] : memref<2x4x210x64xf32, #tpu.memory_space<vmem>> -> memref<1x1x10x64xf32, #tpu.memory_space<vmem>>
      %dma_wait3A_175 = tpu.memref_squeeze %dma_wait3A_174 : memref<1x1x10x64xf32, #tpu.memory_space<vmem>> -> memref<10x64xf32, #tpu.memory_space<vmem>>
      %dma_wait3A_176 = arith.constant 0 : i32
      %dma_wait3A_177 = arith.constant 0 : i32
      %dma_wait3A_178 = tpu.memref_slice %arg7[%run_scoped3A, %run_scoped3A_3, %dma_wait3A_176, %dma_wait3A_177] : memref<2x4x210x64xf32, #tpu.memory_space<vmem>> -> memref<1x1x10x64xf32, #tpu.memory_space<vmem>>
      %dma_wait3A_179 = tpu.memref_squeeze %dma_wait3A_178 : memref<1x1x10x64xf32, #tpu.memory_space<vmem>> -> memref<10x64xf32, #tpu.memory_space<vmem>>
      tpu.wait_dma2 semaphore(%run_scoped3A_163 : memref<!tpu.dma_semaphore, #tpu.memory_space<semaphore_mem>>) src(%arg4 : memref<10x64xf32, #tpu.memory_space<hbm>>) dst(%dma_wait3A_179 : memref<10x64xf32, #tpu.memory_space<vmem>>)
      tpu.yield
    }) : () -> ()
    %run_scoped3A_4 = arith.constant 0 : i32
    %run_scoped3A_5 = arith.constant 1 : i32
    "tpu.region"() ({
      %run_scoped3A_163 = tpu.sem_alloc : memref<!tpu.dma_semaphore, #tpu.memory_space<semaphore_mem>>
      %dma_start3A_164 = arith.constant 0 : i32
      %dma_start3A_165 = arith.constant 0 : i32
      %dma_start3A_166 = tpu.memref_slice %arg7[%run_scoped3A_4, %run_scoped3A_5, %dma_start3A_164, %dma_start3A_165] : memref<2x4x210x64xf32, #tpu.memory_space<vmem>> -> memref<1x1x10x64xf32, #tpu.memory_space<vmem>>
      %dma_start3A_167 = tpu.memref_squeeze %dma_start3A_166 : memref<1x1x10x64xf32, #tpu.memory_space<vmem>> -> memref<10x64xf32, #tpu.memory_space<vmem>>
      %dma_start3A_168 = arith.constant 0 : i32
      %dma_start3A_169 = arith.constant 0 : i32
      %dma_start3A_170 = tpu.memref_slice %arg7[%run_scoped3A_4, %run_scoped3A_5, %dma_start3A_168, %dma_start3A_169] : memref<2x4x210x64xf32, #tpu.memory_space<vmem>> -> memref<1x1x10x64xf32, #tpu.memory_space<vmem>>
      %dma_start3A_171 = tpu.memref_squeeze %dma_start3A_170 : memref<1x1x10x64xf32, #tpu.memory_space<vmem>> -> memref<10x64xf32, #tpu.memory_space<vmem>>
      tpu.enqueue_dma source(%arg4 : memref<10x64xf32, #tpu.memory_space<hbm>>) target(%dma_start3A_171 : memref<10x64xf32, #tpu.memory_space<vmem>>) target_semaphore(%run_scoped3A_163 : memref<!tpu.dma_semaphore, #tpu.memory_space<semaphore_mem>>)
      %dma_wait3A_172 = arith.constant 0 : i32
      %dma_wait3A_173 = arith.constant 0 : i32
      %dma_wait3A_174 = tpu.memref_slice %arg7[%run_scoped3A_4, %run_scoped3A_5, %dma_wait3A_172, %dma_wait3A_173] : memref<2x4x210x64xf32, #tpu.memory_space<vmem>> -> memref<1x1x10x64xf32, #tpu.memory_space<vmem>>
      %dma_wait3A_175 = tpu.memref_squeeze %dma_wait3A_174 : memref<1x1x10x64xf32, #tpu.memory_space<vmem>> -> memref<10x64xf32, #tpu.memory_space<vmem>>
      %dma_wait3A_176 = arith.constant 0 : i32
      %dma_wait3A_177 = arith.constant 0 : i32
      %dma_wait3A_178 = tpu.memref_slice %arg7[%run_scoped3A_4, %run_scoped3A_5, %dma_wait3A_176, %dma_wait3A_177] : memref<2x4x210x64xf32, #tpu.memory_space<vmem>> -> memref<1x1x10x64xf32, #tpu.memory_space<vmem>>
      %dma_wait3A_179 = tpu.memref_squeeze %dma_wait3A_178 : memref<1x1x10x64xf32, #tpu.memory_space<vmem>> -> memref<10x64xf32, #tpu.memory_space<vmem>>
      tpu.wait_dma2 semaphore(%run_scoped3A_163 : memref<!tpu.dma_semaphore, #tpu.memory_space<semaphore_mem>>) src(%arg4 : memref<10x64xf32, #tpu.memory_space<hbm>>) dst(%dma_wait3A_179 : memref<10x64xf32, #tpu.memory_space<vmem>>)
      tpu.yield
    }) : () -> ()
    %run_scoped3A_6 = arith.constant 0 : i32
    %run_scoped3A_7 = arith.constant 2 : i32
    "tpu.region"() ({
      %run_scoped3A_163 = tpu.sem_alloc : memref<!tpu.dma_semaphore, #tpu.memory_space<semaphore_mem>>
      %dma_start3A_164 = arith.constant 0 : i32
      %dma_start3A_165 = arith.constant 0 : i32
      %dma_start3A_166 = tpu.memref_slice %arg7[%run_scoped3A_6, %run_scoped3A_7, %dma_start3A_164, %dma_start3A_165] : memref<2x4x210x64xf32, #tpu.memory_space<vmem>> -> memref<1x1x10x64xf32, #tpu.memory_space<vmem>>
      %dma_start3A_167 = tpu.memref_squeeze %dma_start3A_166 : memref<1x1x10x64xf32, #tpu.memory_space<vmem>> -> memref<10x64xf32, #tpu.memory_space<vmem>>
      %dma_start3A_168 = arith.constant 0 : i32
      %dma_start3A_169 = arith.constant 0 : i32
      %dma_start3A_170 = tpu.memref_slice %arg7[%run_scoped3A_6, %run_scoped3A_7, %dma_start3A_168, %dma_start3A_169] : memref<2x4x210x64xf32, #tpu.memory_space<vmem>> -> memref<1x1x10x64xf32, #tpu.memory_space<vmem>>
      %dma_start3A_171 = tpu.memref_squeeze %dma_start3A_170 : memref<1x1x10x64xf32, #tpu.memory_space<vmem>> -> memref<10x64xf32, #tpu.memory_space<vmem>>
      tpu.enqueue_dma source(%arg4 : memref<10x64xf32, #tpu.memory_space<hbm>>) target(%dma_start3A_171 : memref<10x64xf32, #tpu.memory_space<vmem>>) target_semaphore(%run_scoped3A_163 : memref<!tpu.dma_semaphore, #tpu.memory_space<semaphore_mem>>)
      %dma_wait3A_172 = arith.constant 0 : i32
      %dma_wait3A_173 = arith.constant 0 : i32
      %dma_wait3A_174 = tpu.memref_slice %arg7[%run_scoped3A_6, %run_scoped3A_7, %dma_wait3A_172, %dma_wait3A_173] : memref<2x4x210x64xf32, #tpu.memory_space<vmem>> -> memref<1x1x10x64xf32, #tpu.memory_space<vmem>>
      %dma_wait3A_175 = tpu.memref_squeeze %dma_wait3A_174 : memref<1x1x10x64xf32, #tpu.memory_space<vmem>> -> memref<10x64xf32, #tpu.memory_space<vmem>>
      %dma_wait3A_176 = arith.constant 0 : i32
      %dma_wait3A_177 = arith.constant 0 : i32
      %dma_wait3A_178 = tpu.memref_slice %arg7[%run_scoped3A_6, %run_scoped3A_7, %dma_wait3A_176, %dma_wait3A_177] : memref<2x4x210x64xf32, #tpu.memory_space<vmem>> -> memref<1x1x10x64xf32, #tpu.memory_space<vmem>>
      %dma_wait3A_179 = tpu.memref_squeeze %dma_wait3A_178 : memref<1x1x10x64xf32, #tpu.memory_space<vmem>> -> memref<10x64xf32, #tpu.memory_space<vmem>>
      tpu.wait_dma2 semaphore(%run_scoped3A_163 : memref<!tpu.dma_semaphore, #tpu.memory_space<semaphore_mem>>) src(%arg4 : memref<10x64xf32, #tpu.memory_space<hbm>>) dst(%dma_wait3A_179 : memref<10x64xf32, #tpu.memory_space<vmem>>)
      tpu.yield
    }) : () -> ()
    %run_scoped3A_8 = arith.constant 0 : i32
    %run_scoped3A_9 = arith.constant 3 : i32
    "tpu.region"() ({
      %run_scoped3A_163 = tpu.sem_alloc : memref<!tpu.dma_semaphore, #tpu.memory_space<semaphore_mem>>
      %dma_start3A_164 = arith.constant 0 : i32
      %dma_start3A_165 = arith.constant 0 : i32
      %dma_start3A_166 = tpu.memref_slice %arg7[%run_scoped3A_8, %run_scoped3A_9, %dma_start3A_164, %dma_start3A_165] : memref<2x4x210x64xf32, #tpu.memory_space<vmem>> -> memref<1x1x10x64xf32, #tpu.memory_space<vmem>>
      %dma_start3A_167 = tpu.memref_squeeze %dma_start3A_166 : memref<1x1x10x64xf32, #tpu.memory_space<vmem>> -> memref<10x64xf32, #tpu.memory_space<vmem>>
      %dma_start3A_168 = arith.constant 0 : i32
      %dma_start3A_169 = arith.constant 0 : i32
      %dma_start3A_170 = tpu.memref_slice %arg7[%run_scoped3A_8, %run_scoped3A_9, %dma_start3A_168, %dma_start3A_169] : memref<2x4x210x64xf32, #tpu.memory_space<vmem>> -> memref<1x1x10x64xf32, #tpu.memory_space<vmem>>
      %dma_start3A_171 = tpu.memref_squeeze %dma_start3A_170 : memref<1x1x10x64xf32, #tpu.memory_space<vmem>> -> memref<10x64xf32, #tpu.memory_space<vmem>>
      tpu.enqueue_dma source(%arg4 : memref<10x64xf32, #tpu.memory_space<hbm>>) target(%dma_start3A_171 : memref<10x64xf32, #tpu.memory_space<vmem>>) target_semaphore(%run_scoped3A_163 : memref<!tpu.dma_semaphore, #tpu.memory_space<semaphore_mem>>)
      %dma_wait3A_172 = arith.constant 0 : i32
      %dma_wait3A_173 = arith.constant 0 : i32
      %dma_wait3A_174 = tpu.memref_slice %arg7[%run_scoped3A_8, %run_scoped3A_9, %dma_wait3A_172, %dma_wait3A_173] : memref<2x4x210x64xf32, #tpu.memory_space<vmem>> -> memref<1x1x10x64xf32, #tpu.memory_space<vmem>>
      %dma_wait3A_175 = tpu.memref_squeeze %dma_wait3A_174 : memref<1x1x10x64xf32, #tpu.memory_space<vmem>> -> memref<10x64xf32, #tpu.memory_space<vmem>>
      %dma_wait3A_176 = arith.constant 0 : i32
      %dma_wait3A_177 = arith.constant 0 : i32
      %dma_wait3A_178 = tpu.memref_slice %arg7[%run_scoped3A_8, %run_scoped3A_9, %dma_wait3A_176, %dma_wait3A_177] : memref<2x4x210x64xf32, #tpu.memory_space<vmem>> -> memref<1x1x10x64xf32, #tpu.memory_space<vmem>>
      %dma_wait3A_179 = tpu.memref_squeeze %dma_wait3A_178 : memref<1x1x10x64xf32, #tpu.memory_space<vmem>> -> memref<10x64xf32, #tpu.memory_space<vmem>>
      tpu.wait_dma2 semaphore(%run_scoped3A_163 : memref<!tpu.dma_semaphore, #tpu.memory_space<semaphore_mem>>) src(%arg4 : memref<10x64xf32, #tpu.memory_space<hbm>>) dst(%dma_wait3A_179 : memref<10x64xf32, #tpu.memory_space<vmem>>)
      tpu.yield
    }) : () -> ()
    %run_scoped3A_10 = arith.constant 1 : i32
    %run_scoped3A_11 = arith.constant 0 : i32
    "tpu.region"() ({
      %run_scoped3A_163 = tpu.sem_alloc : memref<!tpu.dma_semaphore, #tpu.memory_space<semaphore_mem>>
      %dma_start3A_164 = arith.constant 0 : i32
      %dma_start3A_165 = arith.constant 0 : i32
      %dma_start3A_166 = tpu.memref_slice %arg7[%run_scoped3A_10, %run_scoped3A_11, %dma_start3A_164, %dma_start3A_165] : memref<2x4x210x64xf32, #tpu.memory_space<vmem>> -> memref<1x1x10x64xf32, #tpu.memory_space<vmem>>
      %dma_start3A_167 = tpu.memref_squeeze %dma_start3A_166 : memref<1x1x10x64xf32, #tpu.memory_space<vmem>> -> memref<10x64xf32, #tpu.memory_space<vmem>>
      %dma_start3A_168 = arith.constant 0 : i32
      %dma_start3A_169 = arith.constant 0 : i32
      %dma_start3A_170 = tpu.memref_slice %arg7[%run_scoped3A_10, %run_scoped3A_11, %dma_start3A_168, %dma_start3A_169] : memref<2x4x210x64xf32, #tpu.memory_space<vmem>> -> memref<1x1x10x64xf32, #tpu.memory_space<vmem>>
      %dma_start3A_171 = tpu.memref_squeeze %dma_start3A_170 : memref<1x1x10x64xf32, #tpu.memory_space<vmem>> -> memref<10x64xf32, #tpu.memory_space<vmem>>
      tpu.enqueue_dma source(%arg4 : memref<10x64xf32, #tpu.memory_space<hbm>>) target(%dma_start3A_171 : memref<10x64xf32, #tpu.memory_space<vmem>>) target_semaphore(%run_scoped3A_163 : memref<!tpu.dma_semaphore, #tpu.memory_space<semaphore_mem>>)
      %dma_wait3A_172 = arith.constant 0 : i32
      %dma_wait3A_173 = arith.constant 0 : i32
      %dma_wait3A_174 = tpu.memref_slice %arg7[%run_scoped3A_10, %run_scoped3A_11, %dma_wait3A_172, %dma_wait3A_173] : memref<2x4x210x64xf32, #tpu.memory_space<vmem>> -> memref<1x1x10x64xf32, #tpu.memory_space<vmem>>
      %dma_wait3A_175 = tpu.memref_squeeze %dma_wait3A_174 : memref<1x1x10x64xf32, #tpu.memory_space<vmem>> -> memref<10x64xf32, #tpu.memory_space<vmem>>
      %dma_wait3A_176 = arith.constant 0 : i32
      %dma_wait3A_177 = arith.constant 0 : i32
      %dma_wait3A_178 = tpu.memref_slice %arg7[%run_scoped3A_10, %run_scoped3A_11, %dma_wait3A_176, %dma_wait3A_177] : memref<2x4x210x64xf32, #tpu.memory_space<vmem>> -> memref<1x1x10x64xf32, #tpu.memory_space<vmem>>
      %dma_wait3A_179 = tpu.memref_squeeze %dma_wait3A_178 : memref<1x1x10x64xf32, #tpu.memory_space<vmem>> -> memref<10x64xf32, #tpu.memory_space<vmem>>
      tpu.wait_dma2 semaphore(%run_scoped3A_163 : memref<!tpu.dma_semaphore, #tpu.memory_space<semaphore_mem>>) src(%arg4 : memref<10x64xf32, #tpu.memory_space<hbm>>) dst(%dma_wait3A_179 : memref<10x64xf32, #tpu.memory_space<vmem>>)
      tpu.yield
    }) : () -> ()
    %run_scoped3A_12 = arith.constant 1 : i32
    %run_scoped3A_13 = arith.constant 1 : i32
    "tpu.region"() ({
      %run_scoped3A_163 = tpu.sem_alloc : memref<!tpu.dma_semaphore, #tpu.memory_space<semaphore_mem>>
      %dma_start3A_164 = arith.constant 0 : i32
      %dma_start3A_165 = arith.constant 0 : i32
      %dma_start3A_166 = tpu.memref_slice %arg7[%run_scoped3A_12, %run_scoped3A_13, %dma_start3A_164, %dma_start3A_165] : memref<2x4x210x64xf32, #tpu.memory_space<vmem>> -> memref<1x1x10x64xf32, #tpu.memory_space<vmem>>
      %dma_start3A_167 = tpu.memref_squeeze %dma_start3A_166 : memref<1x1x10x64xf32, #tpu.memory_space<vmem>> -> memref<10x64xf32, #tpu.memory_space<vmem>>
      %dma_start3A_168 = arith.constant 0 : i32
      %dma_start3A_169 = arith.constant 0 : i32
      %dma_start3A_170 = tpu.memref_slice %arg7[%run_scoped3A_12, %run_scoped3A_13, %dma_start3A_168, %dma_start3A_169] : memref<2x4x210x64xf32, #tpu.memory_space<vmem>> -> memref<1x1x10x64xf32, #tpu.memory_space<vmem>>
      %dma_start3A_171 = tpu.memref_squeeze %dma_start3A_170 : memref<1x1x10x64xf32, #tpu.memory_space<vmem>> -> memref<10x64xf32, #tpu.memory_space<vmem>>
      tpu.enqueue_dma source(%arg4 : memref<10x64xf32, #tpu.memory_space<hbm>>) target(%dma_start3A_171 : memref<10x64xf32, #tpu.memory_space<vmem>>) target_semaphore(%run_scoped3A_163 : memref<!tpu.dma_semaphore, #tpu.memory_space<semaphore_mem>>)
      %dma_wait3A_172 = arith.constant 0 : i32
      %dma_wait3A_173 = arith.constant 0 : i32
      %dma_wait3A_174 = tpu.memref_slice %arg7[%run_scoped3A_12, %run_scoped3A_13, %dma_wait3A_172, %dma_wait3A_173] : memref<2x4x210x64xf32, #tpu.memory_space<vmem>> -> memref<1x1x10x64xf32, #tpu.memory_space<vmem>>
      %dma_wait3A_175 = tpu.memref_squeeze %dma_wait3A_174 : memref<1x1x10x64xf32, #tpu.memory_space<vmem>> -> memref<10x64xf32, #tpu.memory_space<vmem>>
      %dma_wait3A_176 = arith.constant 0 : i32
      %dma_wait3A_177 = arith.constant 0 : i32
      %dma_wait3A_178 = tpu.memref_slice %arg7[%run_scoped3A_12, %run_scoped3A_13, %dma_wait3A_176, %dma_wait3A_177] : memref<2x4x210x64xf32, #tpu.memory_space<vmem>> -> memref<1x1x10x64xf32, #tpu.memory_space<vmem>>
      %dma_wait3A_179 = tpu.memref_squeeze %dma_wait3A_178 : memref<1x1x10x64xf32, #tpu.memory_space<vmem>> -> memref<10x64xf32, #tpu.memory_space<vmem>>
      tpu.wait_dma2 semaphore(%run_scoped3A_163 : memref<!tpu.dma_semaphore, #tpu.memory_space<semaphore_mem>>) src(%arg4 : memref<10x64xf32, #tpu.memory_space<hbm>>) dst(%dma_wait3A_179 : memref<10x64xf32, #tpu.memory_space<vmem>>)
      tpu.yield
    }) : () -> ()
    %run_scoped3A_14 = arith.constant 1 : i32
    %run_scoped3A_15 = arith.constant 2 : i32
    "tpu.region"() ({
      %run_scoped3A_163 = tpu.sem_alloc : memref<!tpu.dma_semaphore, #tpu.memory_space<semaphore_mem>>
      %dma_start3A_164 = arith.constant 0 : i32
      %dma_start3A_165 = arith.constant 0 : i32
      %dma_start3A_166 = tpu.memref_slice %arg7[%run_scoped3A_14, %run_scoped3A_15, %dma_start3A_164, %dma_start3A_165] : memref<2x4x210x64xf32, #tpu.memory_space<vmem>> -> memref<1x1x10x64xf32, #tpu.memory_space<vmem>>
      %dma_start3A_167 = tpu.memref_squeeze %dma_start3A_166 : memref<1x1x10x64xf32, #tpu.memory_space<vmem>> -> memref<10x64xf32, #tpu.memory_space<vmem>>
      %dma_start3A_168 = arith.constant 0 : i32
      %dma_start3A_169 = arith.constant 0 : i32
      %dma_start3A_170 = tpu.memref_slice %arg7[%run_scoped3A_14, %run_scoped3A_15, %dma_start3A_168, %dma_start3A_169] : memref<2x4x210x64xf32, #tpu.memory_space<vmem>> -> memref<1x1x10x64xf32, #tpu.memory_space<vmem>>
      %dma_start3A_171 = tpu.memref_squeeze %dma_start3A_170 : memref<1x1x10x64xf32, #tpu.memory_space<vmem>> -> memref<10x64xf32, #tpu.memory_space<vmem>>
      tpu.enqueue_dma source(%arg4 : memref<10x64xf32, #tpu.memory_space<hbm>>) target(%dma_start3A_171 : memref<10x64xf32, #tpu.memory_space<vmem>>) target_semaphore(%run_scoped3A_163 : memref<!tpu.dma_semaphore, #tpu.memory_space<semaphore_mem>>)
      %dma_wait3A_172 = arith.constant 0 : i32
      %dma_wait3A_173 = arith.constant 0 : i32
      %dma_wait3A_174 = tpu.memref_slice %arg7[%run_scoped3A_14, %run_scoped3A_15, %dma_wait3A_172, %dma_wait3A_173] : memref<2x4x210x64xf32, #tpu.memory_space<vmem>> -> memref<1x1x10x64xf32, #tpu.memory_space<vmem>>
      %dma_wait3A_175 = tpu.memref_squeeze %dma_wait3A_174 : memref<1x1x10x64xf32, #tpu.memory_space<vmem>> -> memref<10x64xf32, #tpu.memory_space<vmem>>
      %dma_wait3A_176 = arith.constant 0 : i32
      %dma_wait3A_177 = arith.constant 0 : i32
      %dma_wait3A_178 = tpu.memref_slice %arg7[%run_scoped3A_14, %run_scoped3A_15, %dma_wait3A_176, %dma_wait3A_177] : memref<2x4x210x64xf32, #tpu.memory_space<vmem>> -> memref<1x1x10x64xf32, #tpu.memory_space<vmem>>
      %dma_wait3A_179 = tpu.memref_squeeze %dma_wait3A_178 : memref<1x1x10x64xf32, #tpu.memory_space<vmem>> -> memref<10x64xf32, #tpu.memory_space<vmem>>
      tpu.wait_dma2 semaphore(%run_scoped3A_163 : memref<!tpu.dma_semaphore, #tpu.memory_space<semaphore_mem>>) src(%arg4 : memref<10x64xf32, #tpu.memory_space<hbm>>) dst(%dma_wait3A_179 : memref<10x64xf32, #tpu.memory_space<vmem>>)
      tpu.yield
    }) : () -> ()
    %run_scoped3A_16 = arith.constant 1 : i32
    %run_scoped3A_17 = arith.constant 3 : i32
    "tpu.region"() ({
      %run_scoped3A_163 = tpu.sem_alloc : memref<!tpu.dma_semaphore, #tpu.memory_space<semaphore_mem>>
      %dma_start3A_164 = arith.constant 0 : i32
      %dma_start3A_165 = arith.constant 0 : i32
      %dma_start3A_166 = tpu.memref_slice %arg7[%run_scoped3A_16, %run_scoped3A_17, %dma_start3A_164, %dma_start3A_165] : memref<2x4x210x64xf32, #tpu.memory_space<vmem>> -> memref<1x1x10x64xf32, #tpu.memory_space<vmem>>
      %dma_start3A_167 = tpu.memref_squeeze %dma_start3A_166 : memref<1x1x10x64xf32, #tpu.memory_space<vmem>> -> memref<10x64xf32, #tpu.memory_space<vmem>>
      %dma_start3A_168 = arith.constant 0 : i32
      %dma_start3A_169 = arith.constant 0 : i32
      %dma_start3A_170 = tpu.memref_slice %arg7[%run_scoped3A_16, %run_scoped3A_17, %dma_start3A_168, %dma_start3A_169] : memref<2x4x210x64xf32, #tpu.memory_space<vmem>> -> memref<1x1x10x64xf32, #tpu.memory_space<vmem>>
      %dma_start3A_171 = tpu.memref_squeeze %dma_start3A_170 : memref<1x1x10x64xf32, #tpu.memory_space<vmem>> -> memref<10x64xf32, #tpu.memory_space<vmem>>
      tpu.enqueue_dma source(%arg4 : memref<10x64xf32, #tpu.memory_space<hbm>>) target(%dma_start3A_171 : memref<10x64xf32, #tpu.memory_space<vmem>>) target_semaphore(%run_scoped3A_163 : memref<!tpu.dma_semaphore, #tpu.memory_space<semaphore_mem>>)
      %dma_wait3A_172 = arith.constant 0 : i32
      %dma_wait3A_173 = arith.constant 0 : i32
      %dma_wait3A_174 = tpu.memref_slice %arg7[%run_scoped3A_16, %run_scoped3A_17, %dma_wait3A_172, %dma_wait3A_173] : memref<2x4x210x64xf32, #tpu.memory_space<vmem>> -> memref<1x1x10x64xf32, #tpu.memory_space<vmem>>
      %dma_wait3A_175 = tpu.memref_squeeze %dma_wait3A_174 : memref<1x1x10x64xf32, #tpu.memory_space<vmem>> -> memref<10x64xf32, #tpu.memory_space<vmem>>
      %dma_wait3A_176 = arith.constant 0 : i32
      %dma_wait3A_177 = arith.constant 0 : i32
      %dma_wait3A_178 = tpu.memref_slice %arg7[%run_scoped3A_16, %run_scoped3A_17, %dma_wait3A_176, %dma_wait3A_177] : memref<2x4x210x64xf32, #tpu.memory_space<vmem>> -> memref<1x1x10x64xf32, #tpu.memory_space<vmem>>
      %dma_wait3A_179 = tpu.memref_squeeze %dma_wait3A_178 : memref<1x1x10x64xf32, #tpu.memory_space<vmem>> -> memref<10x64xf32, #tpu.memory_space<vmem>>
      tpu.wait_dma2 semaphore(%run_scoped3A_163 : memref<!tpu.dma_semaphore, #tpu.memory_space<semaphore_mem>>) src(%arg4 : memref<10x64xf32, #tpu.memory_space<hbm>>) dst(%dma_wait3A_179 : memref<10x64xf32, #tpu.memory_space<vmem>>)
      tpu.yield
    }) : () -> ()
    %dma_start3A = arith.constant 0 : i32
    %dma_start3A_18 = arith.constant 0 : i32
    %dma_start3A_19 = arith.constant 0 : i32
    %dma_start3A_20 = arith.constant 10 : i32
    %dma_start3A_21 = arith.constant 0 : i32
    %dma_start3A_22 = tpu.memref_slice %arg7[%dma_start3A_18, %dma_start3A_19, %dma_start3A_20, %dma_start3A_21] : memref<2x4x210x64xf32, #tpu.memory_space<vmem>> -> memref<1x1x200x64xf32, #tpu.memory_space<vmem>>
    %dma_start3A_23 = tpu.memref_squeeze %dma_start3A_22 : memref<1x1x200x64xf32, #tpu.memory_space<vmem>> -> memref<200x64xf32, #tpu.memory_space<vmem>>
    %dma_start3A_24 = arith.constant 0 : i32
    %dma_start3A_25 = tpu.memref_slice %arg6[%dma_start3A, %dma_start3A_24] : memref<32x200xi32, #tpu.memory_space<vmem>> -> memref<1x200xi32, #tpu.memory_space<vmem>>
    %dma_start3A_26 = tpu.memref_squeeze %dma_start3A_25 : memref<1x200xi32, #tpu.memory_space<vmem>> -> memref<200xi32, #tpu.memory_space<vmem>>
    %dma_start3A_27 = arith.constant 0 : i32
    %dma_start3A_28 = arith.constant 0 : i32
    %dma_start3A_29 = tpu.memref_slice %arg3[%dma_start3A_27, %dma_start3A_28] : memref<2000000x64xf32, #tpu.memory_space<hbm>> -> memref<2000000x64xf32, #tpu.memory_space<hbm>>
    tpu.enqueue_indirect_dma source(%dma_start3A_29 : memref<2000000x64xf32, #tpu.memory_space<hbm>>) target(%dma_start3A_23 : memref<200x64xf32, #tpu.memory_space<vmem>>) offsets(%dma_start3A_26 : memref<200xi32, #tpu.memory_space<vmem>>) semaphore(%arg8 : memref<!tpu.dma_semaphore, #tpu.memory_space<semaphore_mem>>)
    %dma_start3A_30 = arith.constant 1 : i32
    %dma_start3A_31 = arith.constant 0 : i32
    %dma_start3A_32 = arith.constant 1 : i32
    %dma_start3A_33 = arith.constant 10 : i32
    %dma_start3A_34 = arith.constant 0 : i32
    %dma_start3A_35 = tpu.memref_slice %arg7[%dma_start3A_31, %dma_start3A_32, %dma_start3A_33, %dma_start3A_34] : memref<2x4x210x64xf32, #tpu.memory_space<vmem>> -> memref<1x1x200x64xf32, #tpu.memory_space<vmem>>
    %dma_start3A_36 = tpu.memref_squeeze %dma_start3A_35 : memref<1x1x200x64xf32, #tpu.memory_space<vmem>> -> memref<200x64xf32, #tpu.memory_space<vmem>>
    %dma_start3A_37 = arith.constant 0 : i32
    %dma_start3A_38 = tpu.memref_slice %arg6[%dma_start3A_30, %dma_start3A_37] : memref<32x200xi32, #tpu.memory_space<vmem>> -> memref<1x200xi32, #tpu.memory_space<vmem>>
    %dma_start3A_39 = tpu.memref_squeeze %dma_start3A_38 : memref<1x200xi32, #tpu.memory_space<vmem>> -> memref<200xi32, #tpu.memory_space<vmem>>
    %dma_start3A_40 = arith.constant 0 : i32
    %dma_start3A_41 = arith.constant 0 : i32
    %dma_start3A_42 = tpu.memref_slice %arg3[%dma_start3A_40, %dma_start3A_41] : memref<2000000x64xf32, #tpu.memory_space<hbm>> -> memref<2000000x64xf32, #tpu.memory_space<hbm>>
    tpu.enqueue_indirect_dma source(%dma_start3A_42 : memref<2000000x64xf32, #tpu.memory_space<hbm>>) target(%dma_start3A_36 : memref<200x64xf32, #tpu.memory_space<vmem>>) offsets(%dma_start3A_39 : memref<200xi32, #tpu.memory_space<vmem>>) semaphore(%arg8 : memref<!tpu.dma_semaphore, #tpu.memory_space<semaphore_mem>>)
    %dma_start3A_43 = arith.constant 2 : i32
    %dma_start3A_44 = arith.constant 0 : i32
    %dma_start3A_45 = arith.constant 2 : i32
    %dma_start3A_46 = arith.constant 10 : i32
    %dma_start3A_47 = arith.constant 0 : i32
    %dma_start3A_48 = tpu.memref_slice %arg7[%dma_start3A_44, %dma_start3A_45, %dma_start3A_46, %dma_start3A_47] : memref<2x4x210x64xf32, #tpu.memory_space<vmem>> -> memref<1x1x200x64xf32, #tpu.memory_space<vmem>>
    %dma_start3A_49 = tpu.memref_squeeze %dma_start3A_48 : memref<1x1x200x64xf32, #tpu.memory_space<vmem>> -> memref<200x64xf32, #tpu.memory_space<vmem>>
    %dma_start3A_50 = arith.constant 0 : i32
    %dma_start3A_51 = tpu.memref_slice %arg6[%dma_start3A_43, %dma_start3A_50] : memref<32x200xi32, #tpu.memory_space<vmem>> -> memref<1x200xi32, #tpu.memory_space<vmem>>
    %dma_start3A_52 = tpu.memref_squeeze %dma_start3A_51 : memref<1x200xi32, #tpu.memory_space<vmem>> -> memref<200xi32, #tpu.memory_space<vmem>>
    %dma_start3A_53 = arith.constant 0 : i32
    %dma_start3A_54 = arith.constant 0 : i32
    %dma_start3A_55 = tpu.memref_slice %arg3[%dma_start3A_53, %dma_start3A_54] : memref<2000000x64xf32, #tpu.memory_space<hbm>> -> memref<2000000x64xf32, #tpu.memory_space<hbm>>
    tpu.enqueue_indirect_dma source(%dma_start3A_55 : memref<2000000x64xf32, #tpu.memory_space<hbm>>) target(%dma_start3A_49 : memref<200x64xf32, #tpu.memory_space<vmem>>) offsets(%dma_start3A_52 : memref<200xi32, #tpu.memory_space<vmem>>) semaphore(%arg8 : memref<!tpu.dma_semaphore, #tpu.memory_space<semaphore_mem>>)
    %dma_start3A_56 = arith.constant 3 : i32
    %dma_start3A_57 = arith.constant 0 : i32
    %dma_start3A_58 = arith.constant 3 : i32
    %dma_start3A_59 = arith.constant 10 : i32
    %dma_start3A_60 = arith.constant 0 : i32
    %dma_start3A_61 = tpu.memref_slice %arg7[%dma_start3A_57, %dma_start3A_58, %dma_start3A_59, %dma_start3A_60] : memref<2x4x210x64xf32, #tpu.memory_space<vmem>> -> memref<1x1x200x64xf32, #tpu.memory_space<vmem>>
    %dma_start3A_62 = tpu.memref_squeeze %dma_start3A_61 : memref<1x1x200x64xf32, #tpu.memory_space<vmem>> -> memref<200x64xf32, #tpu.memory_space<vmem>>
    %dma_start3A_63 = arith.constant 0 : i32
    %dma_start3A_64 = tpu.memref_slice %arg6[%dma_start3A_56, %dma_start3A_63] : memref<32x200xi32, #tpu.memory_space<vmem>> -> memref<1x200xi32, #tpu.memory_space<vmem>>
    %dma_start3A_65 = tpu.memref_squeeze %dma_start3A_64 : memref<1x200xi32, #tpu.memory_space<vmem>> -> memref<200xi32, #tpu.memory_space<vmem>>
    %dma_start3A_66 = arith.constant 0 : i32
    %dma_start3A_67 = arith.constant 0 : i32
    %dma_start3A_68 = tpu.memref_slice %arg3[%dma_start3A_66, %dma_start3A_67] : memref<2000000x64xf32, #tpu.memory_space<hbm>> -> memref<2000000x64xf32, #tpu.memory_space<hbm>>
    tpu.enqueue_indirect_dma source(%dma_start3A_68 : memref<2000000x64xf32, #tpu.memory_space<hbm>>) target(%dma_start3A_62 : memref<200x64xf32, #tpu.memory_space<vmem>>) offsets(%dma_start3A_65 : memref<200xi32, #tpu.memory_space<vmem>>) semaphore(%arg8 : memref<!tpu.dma_semaphore, #tpu.memory_space<semaphore_mem>>)
    %dma_start3A_69 = arith.constant 4 : i32
    %dma_start3A_70 = arith.constant 1 : i32
    %dma_start3A_71 = arith.constant 0 : i32
    %dma_start3A_72 = arith.constant 10 : i32
    %dma_start3A_73 = arith.constant 0 : i32
    %dma_start3A_74 = tpu.memref_slice %arg7[%dma_start3A_70, %dma_start3A_71, %dma_start3A_72, %dma_start3A_73] : memref<2x4x210x64xf32, #tpu.memory_space<vmem>> -> memref<1x1x200x64xf32, #tpu.memory_space<vmem>>
    %dma_start3A_75 = tpu.memref_squeeze %dma_start3A_74 : memref<1x1x200x64xf32, #tpu.memory_space<vmem>> -> memref<200x64xf32, #tpu.memory_space<vmem>>
    %dma_start3A_76 = arith.constant 0 : i32
    %dma_start3A_77 = tpu.memref_slice %arg6[%dma_start3A_69, %dma_start3A_76] : memref<32x200xi32, #tpu.memory_space<vmem>> -> memref<1x200xi32, #tpu.memory_space<vmem>>
    %dma_start3A_78 = tpu.memref_squeeze %dma_start3A_77 : memref<1x200xi32, #tpu.memory_space<vmem>> -> memref<200xi32, #tpu.memory_space<vmem>>
    %dma_start3A_79 = arith.constant 0 : i32
    %dma_start3A_80 = arith.constant 0 : i32
    %dma_start3A_81 = tpu.memref_slice %arg3[%dma_start3A_79, %dma_start3A_80] : memref<2000000x64xf32, #tpu.memory_space<hbm>> -> memref<2000000x64xf32, #tpu.memory_space<hbm>>
    tpu.enqueue_indirect_dma source(%dma_start3A_81 : memref<2000000x64xf32, #tpu.memory_space<hbm>>) target(%dma_start3A_75 : memref<200x64xf32, #tpu.memory_space<vmem>>) offsets(%dma_start3A_78 : memref<200xi32, #tpu.memory_space<vmem>>) semaphore(%arg9 : memref<!tpu.dma_semaphore, #tpu.memory_space<semaphore_mem>>)
    %dma_start3A_82 = arith.constant 5 : i32
    %dma_start3A_83 = arith.constant 1 : i32
    %dma_start3A_84 = arith.constant 1 : i32
    %dma_start3A_85 = arith.constant 10 : i32
    %dma_start3A_86 = arith.constant 0 : i32
    %dma_start3A_87 = tpu.memref_slice %arg7[%dma_start3A_83, %dma_start3A_84, %dma_start3A_85, %dma_start3A_86] : memref<2x4x210x64xf32, #tpu.memory_space<vmem>> -> memref<1x1x200x64xf32, #tpu.memory_space<vmem>>
    %dma_start3A_88 = tpu.memref_squeeze %dma_start3A_87 : memref<1x1x200x64xf32, #tpu.memory_space<vmem>> -> memref<200x64xf32, #tpu.memory_space<vmem>>
    %dma_start3A_89 = arith.constant 0 : i32
    %dma_start3A_90 = tpu.memref_slice %arg6[%dma_start3A_82, %dma_start3A_89] : memref<32x200xi32, #tpu.memory_space<vmem>> -> memref<1x200xi32, #tpu.memory_space<vmem>>
    %dma_start3A_91 = tpu.memref_squeeze %dma_start3A_90 : memref<1x200xi32, #tpu.memory_space<vmem>> -> memref<200xi32, #tpu.memory_space<vmem>>
    %dma_start3A_92 = arith.constant 0 : i32
    %dma_start3A_93 = arith.constant 0 : i32
    %dma_start3A_94 = tpu.memref_slice %arg3[%dma_start3A_92, %dma_start3A_93] : memref<2000000x64xf32, #tpu.memory_space<hbm>> -> memref<2000000x64xf32, #tpu.memory_space<hbm>>
    tpu.enqueue_indirect_dma source(%dma_start3A_94 : memref<2000000x64xf32, #tpu.memory_space<hbm>>) target(%dma_start3A_88 : memref<200x64xf32, #tpu.memory_space<vmem>>) offsets(%dma_start3A_91 : memref<200xi32, #tpu.memory_space<vmem>>) semaphore(%arg9 : memref<!tpu.dma_semaphore, #tpu.memory_space<semaphore_mem>>)
    %dma_start3A_95 = arith.constant 6 : i32
    %dma_start3A_96 = arith.constant 1 : i32
    %dma_start3A_97 = arith.constant 2 : i32
    %dma_start3A_98 = arith.constant 10 : i32
    %dma_start3A_99 = arith.constant 0 : i32
    %dma_start3A_100 = tpu.memref_slice %arg7[%dma_start3A_96, %dma_start3A_97, %dma_start3A_98, %dma_start3A_99] : memref<2x4x210x64xf32, #tpu.memory_space<vmem>> -> memref<1x1x200x64xf32, #tpu.memory_space<vmem>>
    %dma_start3A_101 = tpu.memref_squeeze %dma_start3A_100 : memref<1x1x200x64xf32, #tpu.memory_space<vmem>> -> memref<200x64xf32, #tpu.memory_space<vmem>>
    %dma_start3A_102 = arith.constant 0 : i32
    %dma_start3A_103 = tpu.memref_slice %arg6[%dma_start3A_95, %dma_start3A_102] : memref<32x200xi32, #tpu.memory_space<vmem>> -> memref<1x200xi32, #tpu.memory_space<vmem>>
    %dma_start3A_104 = tpu.memref_squeeze %dma_start3A_103 : memref<1x200xi32, #tpu.memory_space<vmem>> -> memref<200xi32, #tpu.memory_space<vmem>>
    %dma_start3A_105 = arith.constant 0 : i32
    %dma_start3A_106 = arith.constant 0 : i32
    %dma_start3A_107 = tpu.memref_slice %arg3[%dma_start3A_105, %dma_start3A_106] : memref<2000000x64xf32, #tpu.memory_space<hbm>> -> memref<2000000x64xf32, #tpu.memory_space<hbm>>
    tpu.enqueue_indirect_dma source(%dma_start3A_107 : memref<2000000x64xf32, #tpu.memory_space<hbm>>) target(%dma_start3A_101 : memref<200x64xf32, #tpu.memory_space<vmem>>) offsets(%dma_start3A_104 : memref<200xi32, #tpu.memory_space<vmem>>) semaphore(%arg9 : memref<!tpu.dma_semaphore, #tpu.memory_space<semaphore_mem>>)
    %dma_start3A_108 = arith.constant 7 : i32
    %dma_start3A_109 = arith.constant 1 : i32
    %dma_start3A_110 = arith.constant 3 : i32
    %dma_start3A_111 = arith.constant 10 : i32
    %dma_start3A_112 = arith.constant 0 : i32
    %dma_start3A_113 = tpu.memref_slice %arg7[%dma_start3A_109, %dma_start3A_110, %dma_start3A_111, %dma_start3A_112] : memref<2x4x210x64xf32, #tpu.memory_space<vmem>> -> memref<1x1x200x64xf32, #tpu.memory_space<vmem>>
    %dma_start3A_114 = tpu.memref_squeeze %dma_start3A_113 : memref<1x1x200x64xf32, #tpu.memory_space<vmem>> -> memref<200x64xf32, #tpu.memory_space<vmem>>
    %dma_start3A_115 = arith.constant 0 : i32
    %dma_start3A_116 = tpu.memref_slice %arg6[%dma_start3A_108, %dma_start3A_115] : memref<32x200xi32, #tpu.memory_space<vmem>> -> memref<1x200xi32, #tpu.memory_space<vmem>>
    %dma_start3A_117 = tpu.memref_squeeze %dma_start3A_116 : memref<1x200xi32, #tpu.memory_space<vmem>> -> memref<200xi32, #tpu.memory_space<vmem>>
    %dma_start3A_118 = arith.constant 0 : i32
    %dma_start3A_119 = arith.constant 0 : i32
    %dma_start3A_120 = tpu.memref_slice %arg3[%dma_start3A_118, %dma_start3A_119] : memref<2000000x64xf32, #tpu.memory_space<hbm>> -> memref<2000000x64xf32, #tpu.memory_space<hbm>>
    tpu.enqueue_indirect_dma source(%dma_start3A_120 : memref<2000000x64xf32, #tpu.memory_space<hbm>>) target(%dma_start3A_114 : memref<200x64xf32, #tpu.memory_space<vmem>>) offsets(%dma_start3A_117 : memref<200xi32, #tpu.memory_space<vmem>>) semaphore(%arg9 : memref<!tpu.dma_semaphore, #tpu.memory_space<semaphore_mem>>)
    %scan3A = arith.constant 0 : i32
    %scan3A_121 = arith.constant 0 : i32
    %scan3A_122 = arith.constant 4 : i32
    %scan3A_123 = arith.addi %scan3A_121, %scan3A_122 : i32
    %scan3A_124 = arith.constant 1 : i32
    scf.for %scan3A_163 = %scan3A_121 to %scan3A_123 step %scan3A_124  : i32 {
      %mul3A_164 = arith.constant 2 : i32
      %mul3A_165 = arith.muli %scan3A_163, %mul3A_164 : i32
      %add3A_166 = arith.constant 0 : i32
      %add3A_167 = arith.addi %mul3A_165, %add3A_166 : i32
      %mul3A_168 = arith.constant 4 : i32
      %mul3A_169 = arith.muli %add3A_167, %mul3A_168 : i32
      %add3A_170 = arith.constant 0 : i32
      %add3A_171 = arith.addi %mul3A_169, %add3A_170 : i32
      %dma_wait3A_172 = arith.constant 0 : i32
      %dma_wait3A_173 = arith.constant 0 : i32
      %dma_wait3A_174 = arith.constant 10 : i32
      %dma_wait3A_175 = arith.constant 0 : i32
      %dma_wait3A_176 = tpu.memref_slice %arg7[%dma_wait3A_172, %dma_wait3A_173, %dma_wait3A_174, %dma_wait3A_175] : memref<2x4x210x64xf32, #tpu.memory_space<vmem>> -> memref<1x1x200x64xf32, #tpu.memory_space<vmem>>
      %dma_wait3A_177 = tpu.memref_squeeze %dma_wait3A_176 : memref<1x1x200x64xf32, #tpu.memory_space<vmem>> -> memref<200x64xf32, #tpu.memory_space<vmem>>
      %dma_wait3A_178 = arith.constant 0 : i32
      %dma_wait3A_179 = tpu.memref_slice %arg6[%add3A_171, %dma_wait3A_178] : memref<32x200xi32, #tpu.memory_space<vmem>> -> memref<1x200xi32, #tpu.memory_space<vmem>>
      %dma_wait3A_180 = tpu.memref_squeeze %dma_wait3A_179 : memref<1x200xi32, #tpu.memory_space<vmem>> -> memref<200xi32, #tpu.memory_space<vmem>>
      %dma_wait3A_181 = arith.constant 0 : i32
      %dma_wait3A_182 = arith.constant 0 : i32
      %dma_wait3A_183 = tpu.memref_slice %arg3[%dma_wait3A_181, %dma_wait3A_182] : memref<2000000x64xf32, #tpu.memory_space<hbm>> -> memref<2000000x64xf32, #tpu.memory_space<hbm>>
      tpu.wait_indirect_dma semaphore(%arg8 : memref<!tpu.dma_semaphore, #tpu.memory_space<semaphore_mem>>) src(%dma_wait3A_183 : memref<2000000x64xf32, #tpu.memory_space<hbm>>) dst(%dma_wait3A_177 : memref<200x64xf32, #tpu.memory_space<vmem>>)
      %mul3A_184 = arith.constant 4 : i32
      %mul3A_185 = arith.muli %add3A_167, %mul3A_184 : i32
      %add3A_186 = arith.constant 1 : i32
      %add3A_187 = arith.addi %mul3A_185, %add3A_186 : i32
      %dma_wait3A_188 = arith.constant 0 : i32
      %dma_wait3A_189 = arith.constant 1 : i32
      %dma_wait3A_190 = arith.constant 10 : i32
      %dma_wait3A_191 = arith.constant 0 : i32
      %dma_wait3A_192 = tpu.memref_slice %arg7[%dma_wait3A_188, %dma_wait3A_189, %dma_wait3A_190, %dma_wait3A_191] : memref<2x4x210x64xf32, #tpu.memory_space<vmem>> -> memref<1x1x200x64xf32, #tpu.memory_space<vmem>>
      %dma_wait3A_193 = tpu.memref_squeeze %dma_wait3A_192 : memref<1x1x200x64xf32, #tpu.memory_space<vmem>> -> memref<200x64xf32, #tpu.memory_space<vmem>>
      %dma_wait3A_194 = arith.constant 0 : i32
      %dma_wait3A_195 = tpu.memref_slice %arg6[%add3A_187, %dma_wait3A_194] : memref<32x200xi32, #tpu.memory_space<vmem>> -> memref<1x200xi32, #tpu.memory_space<vmem>>
      %dma_wait3A_196 = tpu.memref_squeeze %dma_wait3A_195 : memref<1x200xi32, #tpu.memory_space<vmem>> -> memref<200xi32, #tpu.memory_space<vmem>>
      %dma_wait3A_197 = arith.constant 0 : i32
      %dma_wait3A_198 = arith.constant 0 : i32
      %dma_wait3A_199 = tpu.memref_slice %arg3[%dma_wait3A_197, %dma_wait3A_198] : memref<2000000x64xf32, #tpu.memory_space<hbm>> -> memref<2000000x64xf32, #tpu.memory_space<hbm>>
      tpu.wait_indirect_dma semaphore(%arg8 : memref<!tpu.dma_semaphore, #tpu.memory_space<semaphore_mem>>) src(%dma_wait3A_199 : memref<2000000x64xf32, #tpu.memory_space<hbm>>) dst(%dma_wait3A_193 : memref<200x64xf32, #tpu.memory_space<vmem>>)
      %mul3A_200 = arith.constant 4 : i32
      %mul3A_201 = arith.muli %add3A_167, %mul3A_200 : i32
      %add3A_202 = arith.constant 2 : i32
      %add3A_203 = arith.addi %mul3A_201, %add3A_202 : i32
      %dma_wait3A_204 = arith.constant 0 : i32
      %dma_wait3A_205 = arith.constant 2 : i32
      %dma_wait3A_206 = arith.constant 10 : i32
      %dma_wait3A_207 = arith.constant 0 : i32
      %dma_wait3A_208 = tpu.memref_slice %arg7[%dma_wait3A_204, %dma_wait3A_205, %dma_wait3A_206, %dma_wait3A_207] : memref<2x4x210x64xf32, #tpu.memory_space<vmem>> -> memref<1x1x200x64xf32, #tpu.memory_space<vmem>>
      %dma_wait3A_209 = tpu.memref_squeeze %dma_wait3A_208 : memref<1x1x200x64xf32, #tpu.memory_space<vmem>> -> memref<200x64xf32, #tpu.memory_space<vmem>>
      %dma_wait3A_210 = arith.constant 0 : i32
      %dma_wait3A_211 = tpu.memref_slice %arg6[%add3A_203, %dma_wait3A_210] : memref<32x200xi32, #tpu.memory_space<vmem>> -> memref<1x200xi32, #tpu.memory_space<vmem>>
      %dma_wait3A_212 = tpu.memref_squeeze %dma_wait3A_211 : memref<1x200xi32, #tpu.memory_space<vmem>> -> memref<200xi32, #tpu.memory_space<vmem>>
      %dma_wait3A_213 = arith.constant 0 : i32
      %dma_wait3A_214 = arith.constant 0 : i32
      %dma_wait3A_215 = tpu.memref_slice %arg3[%dma_wait3A_213, %dma_wait3A_214] : memref<2000000x64xf32, #tpu.memory_space<hbm>> -> memref<2000000x64xf32, #tpu.memory_space<hbm>>
      tpu.wait_indirect_dma semaphore(%arg8 : memref<!tpu.dma_semaphore, #tpu.memory_space<semaphore_mem>>) src(%dma_wait3A_215 : memref<2000000x64xf32, #tpu.memory_space<hbm>>) dst(%dma_wait3A_209 : memref<200x64xf32, #tpu.memory_space<vmem>>)
      %mul3A_216 = arith.constant 4 : i32
      %mul3A_217 = arith.muli %add3A_167, %mul3A_216 : i32
      %add3A_218 = arith.constant 3 : i32
      %add3A_219 = arith.addi %mul3A_217, %add3A_218 : i32
      %dma_wait3A_220 = arith.constant 0 : i32
      %dma_wait3A_221 = arith.constant 3 : i32
      %dma_wait3A_222 = arith.constant 10 : i32
      %dma_wait3A_223 = arith.constant 0 : i32
      %dma_wait3A_224 = tpu.memref_slice %arg7[%dma_wait3A_220, %dma_wait3A_221, %dma_wait3A_222, %dma_wait3A_223] : memref<2x4x210x64xf32, #tpu.memory_space<vmem>> -> memref<1x1x200x64xf32, #tpu.memory_space<vmem>>
      %dma_wait3A_225 = tpu.memref_squeeze %dma_wait3A_224 : memref<1x1x200x64xf32, #tpu.memory_space<vmem>> -> memref<200x64xf32, #tpu.memory_space<vmem>>
      %dma_wait3A_226 = arith.constant 0 : i32
      %dma_wait3A_227 = tpu.memref_slice %arg6[%add3A_219, %dma_wait3A_226] : memref<32x200xi32, #tpu.memory_space<vmem>> -> memref<1x200xi32, #tpu.memory_space<vmem>>
      %dma_wait3A_228 = tpu.memref_squeeze %dma_wait3A_227 : memref<1x200xi32, #tpu.memory_space<vmem>> -> memref<200xi32, #tpu.memory_space<vmem>>
      %dma_wait3A_229 = arith.constant 0 : i32
      %dma_wait3A_230 = arith.constant 0 : i32
      %dma_wait3A_231 = tpu.memref_slice %arg3[%dma_wait3A_229, %dma_wait3A_230] : memref<2000000x64xf32, #tpu.memory_space<hbm>> -> memref<2000000x64xf32, #tpu.memory_space<hbm>>
      tpu.wait_indirect_dma semaphore(%arg8 : memref<!tpu.dma_semaphore, #tpu.memory_space<semaphore_mem>>) src(%dma_wait3A_231 : memref<2000000x64xf32, #tpu.memory_space<hbm>>) dst(%dma_wait3A_225 : memref<200x64xf32, #tpu.memory_space<vmem>>)
      %mul3A_232 = arith.constant 4 : i32
      %mul3A_233 = arith.muli %add3A_167, %mul3A_232 : i32
      %add3A_234 = arith.addi %mul3A_2, %mul3A_233 : i32
      %dma_start3A_235 = arith.constant 0 : i32
      %dma_start3A_236 = arith.constant 0 : i32
      %dma_start3A_237 = arith.constant 0 : i32
      %dma_start3A_238 = arith.constant 0 : i32
      %dma_start3A_239 = tpu.memref_slice %arg7[%dma_start3A_235, %dma_start3A_236, %dma_start3A_237, %dma_start3A_238] : memref<2x4x210x64xf32, #tpu.memory_space<vmem>> -> memref<1x4x210x64xf32, #tpu.memory_space<vmem>>
      %dma_start3A_240 = tpu.memref_squeeze %dma_start3A_239 : memref<1x4x210x64xf32, #tpu.memory_space<vmem>> -> memref<4x210x64xf32, #tpu.memory_space<vmem>>
      %dma_start3A_241 = arith.constant 0 : i32
      %dma_start3A_242 = arith.constant 0 : i32
      %dma_start3A_243 = tpu.memref_slice %arg5[%add3A_234, %dma_start3A_241, %dma_start3A_242] : memref<1024x210x64xf32, #tpu.memory_space<hbm>> -> memref<4x210x64xf32, #tpu.memory_space<hbm>>
      %dma_start3A_244 = arith.constant 0 : i32
      %dma_start3A_245 = arith.constant 0 : i32
      %dma_start3A_246 = tpu.memref_slice %arg5[%add3A_234, %dma_start3A_244, %dma_start3A_245] : memref<1024x210x64xf32, #tpu.memory_space<hbm>> -> memref<4x210x64xf32, #tpu.memory_space<hbm>>
      %dma_start3A_247 = arith.constant 0 : i32
      %dma_start3A_248 = arith.constant 0 : i32
      %dma_start3A_249 = arith.constant 0 : i32
      %dma_start3A_250 = tpu.memref_slice %arg7[%dma_start3A_235, %dma_start3A_247, %dma_start3A_248, %dma_start3A_249] : memref<2x4x210x64xf32, #tpu.memory_space<vmem>> -> memref<1x4x210x64xf32, #tpu.memory_space<vmem>>
      %dma_start3A_251 = tpu.memref_squeeze %dma_start3A_250 : memref<1x4x210x64xf32, #tpu.memory_space<vmem>> -> memref<4x210x64xf32, #tpu.memory_space<vmem>>
      tpu.enqueue_dma source(%dma_start3A_251 : memref<4x210x64xf32, #tpu.memory_space<vmem>>) target(%dma_start3A_246 : memref<4x210x64xf32, #tpu.memory_space<hbm>>) target_semaphore(%arg10 : memref<!tpu.dma_semaphore, #tpu.memory_space<semaphore_mem>>)
      %mul3A_252 = arith.constant 2 : i32
      %mul3A_253 = arith.muli %scan3A_163, %mul3A_252 : i32
      %add3A_254 = arith.constant 1 : i32
      %add3A_255 = arith.addi %mul3A_253, %add3A_254 : i32
      %mul3A_256 = arith.constant 4 : i32
      %mul3A_257 = arith.muli %add3A_255, %mul3A_256 : i32
      %add3A_258 = arith.constant 0 : i32
      %add3A_259 = arith.addi %mul3A_257, %add3A_258 : i32
      %dma_wait3A_260 = arith.constant 1 : i32
      %dma_wait3A_261 = arith.constant 0 : i32
      %dma_wait3A_262 = arith.constant 10 : i32
      %dma_wait3A_263 = arith.constant 0 : i32
      %dma_wait3A_264 = tpu.memref_slice %arg7[%dma_wait3A_260, %dma_wait3A_261, %dma_wait3A_262, %dma_wait3A_263] : memref<2x4x210x64xf32, #tpu.memory_space<vmem>> -> memref<1x1x200x64xf32, #tpu.memory_space<vmem>>
      %dma_wait3A_265 = tpu.memref_squeeze %dma_wait3A_264 : memref<1x1x200x64xf32, #tpu.memory_space<vmem>> -> memref<200x64xf32, #tpu.memory_space<vmem>>
      %dma_wait3A_266 = arith.constant 0 : i32
      %dma_wait3A_267 = tpu.memref_slice %arg6[%add3A_259, %dma_wait3A_266] : memref<32x200xi32, #tpu.memory_space<vmem>> -> memref<1x200xi32, #tpu.memory_space<vmem>>
      %dma_wait3A_268 = tpu.memref_squeeze %dma_wait3A_267 : memref<1x200xi32, #tpu.memory_space<vmem>> -> memref<200xi32, #tpu.memory_space<vmem>>
      %dma_wait3A_269 = arith.constant 0 : i32
      %dma_wait3A_270 = arith.constant 0 : i32
      %dma_wait3A_271 = tpu.memref_slice %arg3[%dma_wait3A_269, %dma_wait3A_270] : memref<2000000x64xf32, #tpu.memory_space<hbm>> -> memref<2000000x64xf32, #tpu.memory_space<hbm>>
      tpu.wait_indirect_dma semaphore(%arg9 : memref<!tpu.dma_semaphore, #tpu.memory_space<semaphore_mem>>) src(%dma_wait3A_271 : memref<2000000x64xf32, #tpu.memory_space<hbm>>) dst(%dma_wait3A_265 : memref<200x64xf32, #tpu.memory_space<vmem>>)
      %mul3A_272 = arith.constant 4 : i32
      %mul3A_273 = arith.muli %add3A_255, %mul3A_272 : i32
      %add3A_274 = arith.constant 1 : i32
      %add3A_275 = arith.addi %mul3A_273, %add3A_274 : i32
      %dma_wait3A_276 = arith.constant 1 : i32
      %dma_wait3A_277 = arith.constant 1 : i32
      %dma_wait3A_278 = arith.constant 10 : i32
      %dma_wait3A_279 = arith.constant 0 : i32
      %dma_wait3A_280 = tpu.memref_slice %arg7[%dma_wait3A_276, %dma_wait3A_277, %dma_wait3A_278, %dma_wait3A_279] : memref<2x4x210x64xf32, #tpu.memory_space<vmem>> -> memref<1x1x200x64xf32, #tpu.memory_space<vmem>>
      %dma_wait3A_281 = tpu.memref_squeeze %dma_wait3A_280 : memref<1x1x200x64xf32, #tpu.memory_space<vmem>> -> memref<200x64xf32, #tpu.memory_space<vmem>>
      %dma_wait3A_282 = arith.constant 0 : i32
      %dma_wait3A_283 = tpu.memref_slice %arg6[%add3A_275, %dma_wait3A_282] : memref<32x200xi32, #tpu.memory_space<vmem>> -> memref<1x200xi32, #tpu.memory_space<vmem>>
      %dma_wait3A_284 = tpu.memref_squeeze %dma_wait3A_283 : memref<1x200xi32, #tpu.memory_space<vmem>> -> memref<200xi32, #tpu.memory_space<vmem>>
      %dma_wait3A_285 = arith.constant 0 : i32
      %dma_wait3A_286 = arith.constant 0 : i32
      %dma_wait3A_287 = tpu.memref_slice %arg3[%dma_wait3A_285, %dma_wait3A_286] : memref<2000000x64xf32, #tpu.memory_space<hbm>> -> memref<2000000x64xf32, #tpu.memory_space<hbm>>
      tpu.wait_indirect_dma semaphore(%arg9 : memref<!tpu.dma_semaphore, #tpu.memory_space<semaphore_mem>>) src(%dma_wait3A_287 : memref<2000000x64xf32, #tpu.memory_space<hbm>>) dst(%dma_wait3A_281 : memref<200x64xf32, #tpu.memory_space<vmem>>)
      %mul3A_288 = arith.constant 4 : i32
      %mul3A_289 = arith.muli %add3A_255, %mul3A_288 : i32
      %add3A_290 = arith.constant 2 : i32
      %add3A_291 = arith.addi %mul3A_289, %add3A_290 : i32
      %dma_wait3A_292 = arith.constant 1 : i32
      %dma_wait3A_293 = arith.constant 2 : i32
      %dma_wait3A_294 = arith.constant 10 : i32
      %dma_wait3A_295 = arith.constant 0 : i32
      %dma_wait3A_296 = tpu.memref_slice %arg7[%dma_wait3A_292, %dma_wait3A_293, %dma_wait3A_294, %dma_wait3A_295] : memref<2x4x210x64xf32, #tpu.memory_space<vmem>> -> memref<1x1x200x64xf32, #tpu.memory_space<vmem>>
      %dma_wait3A_297 = tpu.memref_squeeze %dma_wait3A_296 : memref<1x1x200x64xf32, #tpu.memory_space<vmem>> -> memref<200x64xf32, #tpu.memory_space<vmem>>
      %dma_wait3A_298 = arith.constant 0 : i32
      %dma_wait3A_299 = tpu.memref_slice %arg6[%add3A_291, %dma_wait3A_298] : memref<32x200xi32, #tpu.memory_space<vmem>> -> memref<1x200xi32, #tpu.memory_space<vmem>>
      %dma_wait3A_300 = tpu.memref_squeeze %dma_wait3A_299 : memref<1x200xi32, #tpu.memory_space<vmem>> -> memref<200xi32, #tpu.memory_space<vmem>>
      %dma_wait3A_301 = arith.constant 0 : i32
      %dma_wait3A_302 = arith.constant 0 : i32
      %dma_wait3A_303 = tpu.memref_slice %arg3[%dma_wait3A_301, %dma_wait3A_302] : memref<2000000x64xf32, #tpu.memory_space<hbm>> -> memref<2000000x64xf32, #tpu.memory_space<hbm>>
      tpu.wait_indirect_dma semaphore(%arg9 : memref<!tpu.dma_semaphore, #tpu.memory_space<semaphore_mem>>) src(%dma_wait3A_303 : memref<2000000x64xf32, #tpu.memory_space<hbm>>) dst(%dma_wait3A_297 : memref<200x64xf32, #tpu.memory_space<vmem>>)
      %mul3A_304 = arith.constant 4 : i32
      %mul3A_305 = arith.muli %add3A_255, %mul3A_304 : i32
      %add3A_306 = arith.constant 3 : i32
      %add3A_307 = arith.addi %mul3A_305, %add3A_306 : i32
      %dma_wait3A_308 = arith.constant 1 : i32
      %dma_wait3A_309 = arith.constant 3 : i32
      %dma_wait3A_310 = arith.constant 10 : i32
      %dma_wait3A_311 = arith.constant 0 : i32
      %dma_wait3A_312 = tpu.memref_slice %arg7[%dma_wait3A_308, %dma_wait3A_309, %dma_wait3A_310, %dma_wait3A_311] : memref<2x4x210x64xf32, #tpu.memory_space<vmem>> -> memref<1x1x200x64xf32, #tpu.memory_space<vmem>>
      %dma_wait3A_313 = tpu.memref_squeeze %dma_wait3A_312 : memref<1x1x200x64xf32, #tpu.memory_space<vmem>> -> memref<200x64xf32, #tpu.memory_space<vmem>>
      %dma_wait3A_314 = arith.constant 0 : i32
      %dma_wait3A_315 = tpu.memref_slice %arg6[%add3A_307, %dma_wait3A_314] : memref<32x200xi32, #tpu.memory_space<vmem>> -> memref<1x200xi32, #tpu.memory_space<vmem>>
      %dma_wait3A_316 = tpu.memref_squeeze %dma_wait3A_315 : memref<1x200xi32, #tpu.memory_space<vmem>> -> memref<200xi32, #tpu.memory_space<vmem>>
      %dma_wait3A_317 = arith.constant 0 : i32
      %dma_wait3A_318 = arith.constant 0 : i32
      %dma_wait3A_319 = tpu.memref_slice %arg3[%dma_wait3A_317, %dma_wait3A_318] : memref<2000000x64xf32, #tpu.memory_space<hbm>> -> memref<2000000x64xf32, #tpu.memory_space<hbm>>
      tpu.wait_indirect_dma semaphore(%arg9 : memref<!tpu.dma_semaphore, #tpu.memory_space<semaphore_mem>>) src(%dma_wait3A_319 : memref<2000000x64xf32, #tpu.memory_space<hbm>>) dst(%dma_wait3A_313 : memref<200x64xf32, #tpu.memory_space<vmem>>)
      %mul3A_320 = arith.constant 4 : i32
      %mul3A_321 = arith.muli %add3A_255, %mul3A_320 : i32
      %add3A_322 = arith.addi %mul3A_2, %mul3A_321 : i32
      %dma_start3A_323 = arith.constant 1 : i32
      %dma_start3A_324 = arith.constant 0 : i32
      %dma_start3A_325 = arith.constant 0 : i32
      %dma_start3A_326 = arith.constant 0 : i32
      %dma_start3A_327 = tpu.memref_slice %arg7[%dma_start3A_323, %dma_start3A_324, %dma_start3A_325, %dma_start3A_326] : memref<2x4x210x64xf32, #tpu.memory_space<vmem>> -> memref<1x4x210x64xf32, #tpu.memory_space<vmem>>
      %dma_start3A_328 = tpu.memref_squeeze %dma_start3A_327 : memref<1x4x210x64xf32, #tpu.memory_space<vmem>> -> memref<4x210x64xf32, #tpu.memory_space<vmem>>
      %dma_start3A_329 = arith.constant 0 : i32
      %dma_start3A_330 = arith.constant 0 : i32
      %dma_start3A_331 = tpu.memref_slice %arg5[%add3A_322, %dma_start3A_329, %dma_start3A_330] : memref<1024x210x64xf32, #tpu.memory_space<hbm>> -> memref<4x210x64xf32, #tpu.memory_space<hbm>>
      %dma_start3A_332 = arith.constant 0 : i32
      %dma_start3A_333 = arith.constant 0 : i32
      %dma_start3A_334 = tpu.memref_slice %arg5[%add3A_322, %dma_start3A_332, %dma_start3A_333] : memref<1024x210x64xf32, #tpu.memory_space<hbm>> -> memref<4x210x64xf32, #tpu.memory_space<hbm>>
      %dma_start3A_335 = arith.constant 0 : i32
      %dma_start3A_336 = arith.constant 0 : i32
      %dma_start3A_337 = arith.constant 0 : i32
      %dma_start3A_338 = tpu.memref_slice %arg7[%dma_start3A_323, %dma_start3A_335, %dma_start3A_336, %dma_start3A_337] : memref<2x4x210x64xf32, #tpu.memory_space<vmem>> -> memref<1x4x210x64xf32, #tpu.memory_space<vmem>>
      %dma_start3A_339 = tpu.memref_squeeze %dma_start3A_338 : memref<1x4x210x64xf32, #tpu.memory_space<vmem>> -> memref<4x210x64xf32, #tpu.memory_space<vmem>>
      tpu.enqueue_dma source(%dma_start3A_339 : memref<4x210x64xf32, #tpu.memory_space<vmem>>) target(%dma_start3A_334 : memref<4x210x64xf32, #tpu.memory_space<hbm>>) target_semaphore(%arg11 : memref<!tpu.dma_semaphore, #tpu.memory_space<semaphore_mem>>)
      %lt3A = arith.constant 3 : i32
      %lt3A_340 = arith.cmpi slt, %scan3A_163, %lt3A : i32
      %convert_element_type3A = arith.extui %lt3A_340 : i1 to i32
      %cond3A = arith.constant 0 : i32
      %cond3A_341 = arith.cmpi ne, %convert_element_type3A, %cond3A : i32
      scf.if %cond3A_341 {
        %mul3A_342 = arith.constant 2 : i32
        %mul3A_343 = arith.muli %scan3A_163, %mul3A_342 : i32
        %add3A_344 = arith.constant 0 : i32
        %add3A_345 = arith.addi %mul3A_343, %add3A_344 : i32
        %mul3A_346 = arith.constant 4 : i32
        %mul3A_347 = arith.muli %add3A_345, %mul3A_346 : i32
        %add3A_348 = arith.addi %mul3A_2, %mul3A_347 : i32
        %dma_wait3A_349 = arith.constant 0 : i32
        %dma_wait3A_350 = arith.constant 0 : i32
        %dma_wait3A_351 = arith.constant 0 : i32
        %dma_wait3A_352 = arith.constant 0 : i32
        %dma_wait3A_353 = tpu.memref_slice %arg7[%dma_wait3A_349, %dma_wait3A_350, %dma_wait3A_351, %dma_wait3A_352] : memref<2x4x210x64xf32, #tpu.memory_space<vmem>> -> memref<1x4x210x64xf32, #tpu.memory_space<vmem>>
        %dma_wait3A_354 = tpu.memref_squeeze %dma_wait3A_353 : memref<1x4x210x64xf32, #tpu.memory_space<vmem>> -> memref<4x210x64xf32, #tpu.memory_space<vmem>>
        %dma_wait3A_355 = arith.constant 0 : i32
        %dma_wait3A_356 = arith.constant 0 : i32
        %dma_wait3A_357 = tpu.memref_slice %arg5[%add3A_348, %dma_wait3A_355, %dma_wait3A_356] : memref<1024x210x64xf32, #tpu.memory_space<hbm>> -> memref<4x210x64xf32, #tpu.memory_space<hbm>>
        %dma_wait3A_358 = arith.constant 0 : i32
        %dma_wait3A_359 = arith.constant 0 : i32
        %dma_wait3A_360 = tpu.memref_slice %arg5[%add3A_348, %dma_wait3A_358, %dma_wait3A_359] : memref<1024x210x64xf32, #tpu.memory_space<hbm>> -> memref<4x210x64xf32, #tpu.memory_space<hbm>>
        %dma_wait3A_361 = arith.constant 0 : i32
        %dma_wait3A_362 = arith.constant 0 : i32
        %dma_wait3A_363 = arith.constant 0 : i32
        %dma_wait3A_364 = tpu.memref_slice %arg7[%dma_wait3A_349, %dma_wait3A_361, %dma_wait3A_362, %dma_wait3A_363] : memref<2x4x210x64xf32, #tpu.memory_space<vmem>> -> memref<1x4x210x64xf32, #tpu.memory_space<vmem>>
        %dma_wait3A_365 = tpu.memref_squeeze %dma_wait3A_364 : memref<1x4x210x64xf32, #tpu.memory_space<vmem>> -> memref<4x210x64xf32, #tpu.memory_space<vmem>>
        tpu.wait_dma2 semaphore(%arg10 : memref<!tpu.dma_semaphore, #tpu.memory_space<semaphore_mem>>) src(%dma_wait3A_365 : memref<4x210x64xf32, #tpu.memory_space<vmem>>) dst(%dma_wait3A_360 : memref<4x210x64xf32, #tpu.memory_space<hbm>>)
        %add3A_366 = arith.constant 2 : i32
        %add3A_367 = arith.addi %add3A_345, %add3A_366 : i32
        %mul3A_368 = arith.constant 4 : i32
        %mul3A_369 = arith.muli %add3A_367, %mul3A_368 : i32
        %add3A_370 = arith.constant 0 : i32
        %add3A_371 = arith.addi %mul3A_369, %add3A_370 : i32
        %dma_start3A_372 = arith.constant 0 : i32
        %dma_start3A_373 = arith.constant 0 : i32
        %dma_start3A_374 = arith.constant 10 : i32
        %dma_start3A_375 = arith.constant 0 : i32
        %dma_start3A_376 = tpu.memref_slice %arg7[%dma_start3A_372, %dma_start3A_373, %dma_start3A_374, %dma_start3A_375] : memref<2x4x210x64xf32, #tpu.memory_space<vmem>> -> memref<1x1x200x64xf32, #tpu.memory_space<vmem>>
        %dma_start3A_377 = tpu.memref_squeeze %dma_start3A_376 : memref<1x1x200x64xf32, #tpu.memory_space<vmem>> -> memref<200x64xf32, #tpu.memory_space<vmem>>
        %dma_start3A_378 = arith.constant 0 : i32
        %dma_start3A_379 = tpu.memref_slice %arg6[%add3A_371, %dma_start3A_378] : memref<32x200xi32, #tpu.memory_space<vmem>> -> memref<1x200xi32, #tpu.memory_space<vmem>>
        %dma_start3A_380 = tpu.memref_squeeze %dma_start3A_379 : memref<1x200xi32, #tpu.memory_space<vmem>> -> memref<200xi32, #tpu.memory_space<vmem>>
        %dma_start3A_381 = arith.constant 0 : i32
        %dma_start3A_382 = arith.constant 0 : i32
        %dma_start3A_383 = tpu.memref_slice %arg3[%dma_start3A_381, %dma_start3A_382] : memref<2000000x64xf32, #tpu.memory_space<hbm>> -> memref<2000000x64xf32, #tpu.memory_space<hbm>>
        tpu.enqueue_indirect_dma source(%dma_start3A_383 : memref<2000000x64xf32, #tpu.memory_space<hbm>>) target(%dma_start3A_377 : memref<200x64xf32, #tpu.memory_space<vmem>>) offsets(%dma_start3A_380 : memref<200xi32, #tpu.memory_space<vmem>>) semaphore(%arg8 : memref<!tpu.dma_semaphore, #tpu.memory_space<semaphore_mem>>)
        %mul3A_384 = arith.constant 4 : i32
        %mul3A_385 = arith.muli %add3A_367, %mul3A_384 : i32
        %add3A_386 = arith.constant 1 : i32
        %add3A_387 = arith.addi %mul3A_385, %add3A_386 : i32
        %dma_start3A_388 = arith.constant 0 : i32
        %dma_start3A_389 = arith.constant 1 : i32
        %dma_start3A_390 = arith.constant 10 : i32
        %dma_start3A_391 = arith.constant 0 : i32
        %dma_start3A_392 = tpu.memref_slice %arg7[%dma_start3A_388, %dma_start3A_389, %dma_start3A_390, %dma_start3A_391] : memref<2x4x210x64xf32, #tpu.memory_space<vmem>> -> memref<1x1x200x64xf32, #tpu.memory_space<vmem>>
        %dma_start3A_393 = tpu.memref_squeeze %dma_start3A_392 : memref<1x1x200x64xf32, #tpu.memory_space<vmem>> -> memref<200x64xf32, #tpu.memory_space<vmem>>
        %dma_start3A_394 = arith.constant 0 : i32
        %dma_start3A_395 = tpu.memref_slice %arg6[%add3A_387, %dma_start3A_394] : memref<32x200xi32, #tpu.memory_space<vmem>> -> memref<1x200xi32, #tpu.memory_space<vmem>>
        %dma_start3A_396 = tpu.memref_squeeze %dma_start3A_395 : memref<1x200xi32, #tpu.memory_space<vmem>> -> memref<200xi32, #tpu.memory_space<vmem>>
        %dma_start3A_397 = arith.constant 0 : i32
        %dma_start3A_398 = arith.constant 0 : i32
        %dma_start3A_399 = tpu.memref_slice %arg3[%dma_start3A_397, %dma_start3A_398] : memref<2000000x64xf32, #tpu.memory_space<hbm>> -> memref<2000000x64xf32, #tpu.memory_space<hbm>>
        tpu.enqueue_indirect_dma source(%dma_start3A_399 : memref<2000000x64xf32, #tpu.memory_space<hbm>>) target(%dma_start3A_393 : memref<200x64xf32, #tpu.memory_space<vmem>>) offsets(%dma_start3A_396 : memref<200xi32, #tpu.memory_space<vmem>>) semaphore(%arg8 : memref<!tpu.dma_semaphore, #tpu.memory_space<semaphore_mem>>)
        %mul3A_400 = arith.constant 4 : i32
        %mul3A_401 = arith.muli %add3A_367, %mul3A_400 : i32
        %add3A_402 = arith.constant 2 : i32
        %add3A_403 = arith.addi %mul3A_401, %add3A_402 : i32
        %dma_start3A_404 = arith.constant 0 : i32
        %dma_start3A_405 = arith.constant 2 : i32
        %dma_start3A_406 = arith.constant 10 : i32
        %dma_start3A_407 = arith.constant 0 : i32
        %dma_start3A_408 = tpu.memref_slice %arg7[%dma_start3A_404, %dma_start3A_405, %dma_start3A_406, %dma_start3A_407] : memref<2x4x210x64xf32, #tpu.memory_space<vmem>> -> memref<1x1x200x64xf32, #tpu.memory_space<vmem>>
        %dma_start3A_409 = tpu.memref_squeeze %dma_start3A_408 : memref<1x1x200x64xf32, #tpu.memory_space<vmem>> -> memref<200x64xf32, #tpu.memory_space<vmem>>
        %dma_start3A_410 = arith.constant 0 : i32
        %dma_start3A_411 = tpu.memref_slice %arg6[%add3A_403, %dma_start3A_410] : memref<32x200xi32, #tpu.memory_space<vmem>> -> memref<1x200xi32, #tpu.memory_space<vmem>>
        %dma_start3A_412 = tpu.memref_squeeze %dma_start3A_411 : memref<1x200xi32, #tpu.memory_space<vmem>> -> memref<200xi32, #tpu.memory_space<vmem>>
        %dma_start3A_413 = arith.constant 0 : i32
        %dma_start3A_414 = arith.constant 0 : i32
        %dma_start3A_415 = tpu.memref_slice %arg3[%dma_start3A_413, %dma_start3A_414] : memref<2000000x64xf32, #tpu.memory_space<hbm>> -> memref<2000000x64xf32, #tpu.memory_space<hbm>>
        tpu.enqueue_indirect_dma source(%dma_start3A_415 : memref<2000000x64xf32, #tpu.memory_space<hbm>>) target(%dma_start3A_409 : memref<200x64xf32, #tpu.memory_space<vmem>>) offsets(%dma_start3A_412 : memref<200xi32, #tpu.memory_space<vmem>>) semaphore(%arg8 : memref<!tpu.dma_semaphore, #tpu.memory_space<semaphore_mem>>)
        %mul3A_416 = arith.constant 4 : i32
        %mul3A_417 = arith.muli %add3A_367, %mul3A_416 : i32
        %add3A_418 = arith.constant 3 : i32
        %add3A_419 = arith.addi %mul3A_417, %add3A_418 : i32
        %dma_start3A_420 = arith.constant 0 : i32
        %dma_start3A_421 = arith.constant 3 : i32
        %dma_start3A_422 = arith.constant 10 : i32
        %dma_start3A_423 = arith.constant 0 : i32
        %dma_start3A_424 = tpu.memref_slice %arg7[%dma_start3A_420, %dma_start3A_421, %dma_start3A_422, %dma_start3A_423] : memref<2x4x210x64xf32, #tpu.memory_space<vmem>> -> memref<1x1x200x64xf32, #tpu.memory_space<vmem>>
        %dma_start3A_425 = tpu.memref_squeeze %dma_start3A_424 : memref<1x1x200x64xf32, #tpu.memory_space<vmem>> -> memref<200x64xf32, #tpu.memory_space<vmem>>
        %dma_start3A_426 = arith.constant 0 : i32
        %dma_start3A_427 = tpu.memref_slice %arg6[%add3A_419, %dma_start3A_426] : memref<32x200xi32, #tpu.memory_space<vmem>> -> memref<1x200xi32, #tpu.memory_space<vmem>>
        %dma_start3A_428 = tpu.memref_squeeze %dma_start3A_427 : memref<1x200xi32, #tpu.memory_space<vmem>> -> memref<200xi32, #tpu.memory_space<vmem>>
        %dma_start3A_429 = arith.constant 0 : i32
        %dma_start3A_430 = arith.constant 0 : i32
        %dma_start3A_431 = tpu.memref_slice %arg3[%dma_start3A_429, %dma_start3A_430] : memref<2000000x64xf32, #tpu.memory_space<hbm>> -> memref<2000000x64xf32, #tpu.memory_space<hbm>>
        tpu.enqueue_indirect_dma source(%dma_start3A_431 : memref<2000000x64xf32, #tpu.memory_space<hbm>>) target(%dma_start3A_425 : memref<200x64xf32, #tpu.memory_space<vmem>>) offsets(%dma_start3A_428 : memref<200xi32, #tpu.memory_space<vmem>>) semaphore(%arg8 : memref<!tpu.dma_semaphore, #tpu.memory_space<semaphore_mem>>)
        %mul3A_432 = arith.constant 2 : i32
        %mul3A_433 = arith.muli %scan3A_163, %mul3A_432 : i32
        %add3A_434 = arith.constant 1 : i32
        %add3A_435 = arith.addi %mul3A_433, %add3A_434 : i32
        %mul3A_436 = arith.constant 4 : i32
        %mul3A_437 = arith.muli %add3A_435, %mul3A_436 : i32
        %add3A_438 = arith.addi %mul3A_2, %mul3A_437 : i32
        %dma_wait3A_439 = arith.constant 1 : i32
        %dma_wait3A_440 = arith.constant 0 : i32
        %dma_wait3A_441 = arith.constant 0 : i32
        %dma_wait3A_442 = arith.constant 0 : i32
        %dma_wait3A_443 = tpu.memref_slice %arg7[%dma_wait3A_439, %dma_wait3A_440, %dma_wait3A_441, %dma_wait3A_442] : memref<2x4x210x64xf32, #tpu.memory_space<vmem>> -> memref<1x4x210x64xf32, #tpu.memory_space<vmem>>
        %dma_wait3A_444 = tpu.memref_squeeze %dma_wait3A_443 : memref<1x4x210x64xf32, #tpu.memory_space<vmem>> -> memref<4x210x64xf32, #tpu.memory_space<vmem>>
        %dma_wait3A_445 = arith.constant 0 : i32
        %dma_wait3A_446 = arith.constant 0 : i32
        %dma_wait3A_447 = tpu.memref_slice %arg5[%add3A_438, %dma_wait3A_445, %dma_wait3A_446] : memref<1024x210x64xf32, #tpu.memory_space<hbm>> -> memref<4x210x64xf32, #tpu.memory_space<hbm>>
        %dma_wait3A_448 = arith.constant 0 : i32
        %dma_wait3A_449 = arith.constant 0 : i32
        %dma_wait3A_450 = tpu.memref_slice %arg5[%add3A_438, %dma_wait3A_448, %dma_wait3A_449] : memref<1024x210x64xf32, #tpu.memory_space<hbm>> -> memref<4x210x64xf32, #tpu.memory_space<hbm>>
        %dma_wait3A_451 = arith.constant 0 : i32
        %dma_wait3A_452 = arith.constant 0 : i32
        %dma_wait3A_453 = arith.constant 0 : i32
        %dma_wait3A_454 = tpu.memref_slice %arg7[%dma_wait3A_439, %dma_wait3A_451, %dma_wait3A_452, %dma_wait3A_453] : memref<2x4x210x64xf32, #tpu.memory_space<vmem>> -> memref<1x4x210x64xf32, #tpu.memory_space<vmem>>
        %dma_wait3A_455 = tpu.memref_squeeze %dma_wait3A_454 : memref<1x4x210x64xf32, #tpu.memory_space<vmem>> -> memref<4x210x64xf32, #tpu.memory_space<vmem>>
        tpu.wait_dma2 semaphore(%arg11 : memref<!tpu.dma_semaphore, #tpu.memory_space<semaphore_mem>>) src(%dma_wait3A_455 : memref<4x210x64xf32, #tpu.memory_space<vmem>>) dst(%dma_wait3A_450 : memref<4x210x64xf32, #tpu.memory_space<hbm>>)
        %add3A_456 = arith.constant 2 : i32
        %add3A_457 = arith.addi %add3A_435, %add3A_456 : i32
        %mul3A_458 = arith.constant 4 : i32
        %mul3A_459 = arith.muli %add3A_457, %mul3A_458 : i32
        %add3A_460 = arith.constant 0 : i32
        %add3A_461 = arith.addi %mul3A_459, %add3A_460 : i32
        %dma_start3A_462 = arith.constant 1 : i32
        %dma_start3A_463 = arith.constant 0 : i32
        %dma_start3A_464 = arith.constant 10 : i32
        %dma_start3A_465 = arith.constant 0 : i32
        %dma_start3A_466 = tpu.memref_slice %arg7[%dma_start3A_462, %dma_start3A_463, %dma_start3A_464, %dma_start3A_465] : memref<2x4x210x64xf32, #tpu.memory_space<vmem>> -> memref<1x1x200x64xf32, #tpu.memory_space<vmem>>
        %dma_start3A_467 = tpu.memref_squeeze %dma_start3A_466 : memref<1x1x200x64xf32, #tpu.memory_space<vmem>> -> memref<200x64xf32, #tpu.memory_space<vmem>>
        %dma_start3A_468 = arith.constant 0 : i32
        %dma_start3A_469 = tpu.memref_slice %arg6[%add3A_461, %dma_start3A_468] : memref<32x200xi32, #tpu.memory_space<vmem>> -> memref<1x200xi32, #tpu.memory_space<vmem>>
        %dma_start3A_470 = tpu.memref_squeeze %dma_start3A_469 : memref<1x200xi32, #tpu.memory_space<vmem>> -> memref<200xi32, #tpu.memory_space<vmem>>
        %dma_start3A_471 = arith.constant 0 : i32
        %dma_start3A_472 = arith.constant 0 : i32
        %dma_start3A_473 = tpu.memref_slice %arg3[%dma_start3A_471, %dma_start3A_472] : memref<2000000x64xf32, #tpu.memory_space<hbm>> -> memref<2000000x64xf32, #tpu.memory_space<hbm>>
        tpu.enqueue_indirect_dma source(%dma_start3A_473 : memref<2000000x64xf32, #tpu.memory_space<hbm>>) target(%dma_start3A_467 : memref<200x64xf32, #tpu.memory_space<vmem>>) offsets(%dma_start3A_470 : memref<200xi32, #tpu.memory_space<vmem>>) semaphore(%arg9 : memref<!tpu.dma_semaphore, #tpu.memory_space<semaphore_mem>>)
        %mul3A_474 = arith.constant 4 : i32
        %mul3A_475 = arith.muli %add3A_457, %mul3A_474 : i32
        %add3A_476 = arith.constant 1 : i32
        %add3A_477 = arith.addi %mul3A_475, %add3A_476 : i32
        %dma_start3A_478 = arith.constant 1 : i32
        %dma_start3A_479 = arith.constant 1 : i32
        %dma_start3A_480 = arith.constant 10 : i32
        %dma_start3A_481 = arith.constant 0 : i32
        %dma_start3A_482 = tpu.memref_slice %arg7[%dma_start3A_478, %dma_start3A_479, %dma_start3A_480, %dma_start3A_481] : memref<2x4x210x64xf32, #tpu.memory_space<vmem>> -> memref<1x1x200x64xf32, #tpu.memory_space<vmem>>
        %dma_start3A_483 = tpu.memref_squeeze %dma_start3A_482 : memref<1x1x200x64xf32, #tpu.memory_space<vmem>> -> memref<200x64xf32, #tpu.memory_space<vmem>>
        %dma_start3A_484 = arith.constant 0 : i32
        %dma_start3A_485 = tpu.memref_slice %arg6[%add3A_477, %dma_start3A_484] : memref<32x200xi32, #tpu.memory_space<vmem>> -> memref<1x200xi32, #tpu.memory_space<vmem>>
        %dma_start3A_486 = tpu.memref_squeeze %dma_start3A_485 : memref<1x200xi32, #tpu.memory_space<vmem>> -> memref<200xi32, #tpu.memory_space<vmem>>
        %dma_start3A_487 = arith.constant 0 : i32
        %dma_start3A_488 = arith.constant 0 : i32
        %dma_start3A_489 = tpu.memref_slice %arg3[%dma_start3A_487, %dma_start3A_488] : memref<2000000x64xf32, #tpu.memory_space<hbm>> -> memref<2000000x64xf32, #tpu.memory_space<hbm>>
        tpu.enqueue_indirect_dma source(%dma_start3A_489 : memref<2000000x64xf32, #tpu.memory_space<hbm>>) target(%dma_start3A_483 : memref<200x64xf32, #tpu.memory_space<vmem>>) offsets(%dma_start3A_486 : memref<200xi32, #tpu.memory_space<vmem>>) semaphore(%arg9 : memref<!tpu.dma_semaphore, #tpu.memory_space<semaphore_mem>>)
        %mul3A_490 = arith.constant 4 : i32
        %mul3A_491 = arith.muli %add3A_457, %mul3A_490 : i32
        %add3A_492 = arith.constant 2 : i32
        %add3A_493 = arith.addi %mul3A_491, %add3A_492 : i32
        %dma_start3A_494 = arith.constant 1 : i32
        %dma_start3A_495 = arith.constant 2 : i32
        %dma_start3A_496 = arith.constant 10 : i32
        %dma_start3A_497 = arith.constant 0 : i32
        %dma_start3A_498 = tpu.memref_slice %arg7[%dma_start3A_494, %dma_start3A_495, %dma_start3A_496, %dma_start3A_497] : memref<2x4x210x64xf32, #tpu.memory_space<vmem>> -> memref<1x1x200x64xf32, #tpu.memory_space<vmem>>
        %dma_start3A_499 = tpu.memref_squeeze %dma_start3A_498 : memref<1x1x200x64xf32, #tpu.memory_space<vmem>> -> memref<200x64xf32, #tpu.memory_space<vmem>>
        %dma_start3A_500 = arith.constant 0 : i32
        %dma_start3A_501 = tpu.memref_slice %arg6[%add3A_493, %dma_start3A_500] : memref<32x200xi32, #tpu.memory_space<vmem>> -> memref<1x200xi32, #tpu.memory_space<vmem>>
        %dma_start3A_502 = tpu.memref_squeeze %dma_start3A_501 : memref<1x200xi32, #tpu.memory_space<vmem>> -> memref<200xi32, #tpu.memory_space<vmem>>
        %dma_start3A_503 = arith.constant 0 : i32
        %dma_start3A_504 = arith.constant 0 : i32
        %dma_start3A_505 = tpu.memref_slice %arg3[%dma_start3A_503, %dma_start3A_504] : memref<2000000x64xf32, #tpu.memory_space<hbm>> -> memref<2000000x64xf32, #tpu.memory_space<hbm>>
        tpu.enqueue_indirect_dma source(%dma_start3A_505 : memref<2000000x64xf32, #tpu.memory_space<hbm>>) target(%dma_start3A_499 : memref<200x64xf32, #tpu.memory_space<vmem>>) offsets(%dma_start3A_502 : memref<200xi32, #tpu.memory_space<vmem>>) semaphore(%arg9 : memref<!tpu.dma_semaphore, #tpu.memory_space<semaphore_mem>>)
        %mul3A_506 = arith.constant 4 : i32
        %mul3A_507 = arith.muli %add3A_457, %mul3A_506 : i32
        %add3A_508 = arith.constant 3 : i32
        %add3A_509 = arith.addi %mul3A_507, %add3A_508 : i32
        %dma_start3A_510 = arith.constant 1 : i32
        %dma_start3A_511 = arith.constant 3 : i32
        %dma_start3A_512 = arith.constant 10 : i32
        %dma_start3A_513 = arith.constant 0 : i32
        %dma_start3A_514 = tpu.memref_slice %arg7[%dma_start3A_510, %dma_start3A_511, %dma_start3A_512, %dma_start3A_513] : memref<2x4x210x64xf32, #tpu.memory_space<vmem>> -> memref<1x1x200x64xf32, #tpu.memory_space<vmem>>
        %dma_start3A_515 = tpu.memref_squeeze %dma_start3A_514 : memref<1x1x200x64xf32, #tpu.memory_space<vmem>> -> memref<200x64xf32, #tpu.memory_space<vmem>>
        %dma_start3A_516 = arith.constant 0 : i32
        %dma_start3A_517 = tpu.memref_slice %arg6[%add3A_509, %dma_start3A_516] : memref<32x200xi32, #tpu.memory_space<vmem>> -> memref<1x200xi32, #tpu.memory_space<vmem>>
        %dma_start3A_518 = tpu.memref_squeeze %dma_start3A_517 : memref<1x200xi32, #tpu.memory_space<vmem>> -> memref<200xi32, #tpu.memory_space<vmem>>
        %dma_start3A_519 = arith.constant 0 : i32
        %dma_start3A_520 = arith.constant 0 : i32
        %dma_start3A_521 = tpu.memref_slice %arg3[%dma_start3A_519, %dma_start3A_520] : memref<2000000x64xf32, #tpu.memory_space<hbm>> -> memref<2000000x64xf32, #tpu.memory_space<hbm>>
        tpu.enqueue_indirect_dma source(%dma_start3A_521 : memref<2000000x64xf32, #tpu.memory_space<hbm>>) target(%dma_start3A_515 : memref<200x64xf32, #tpu.memory_space<vmem>>) offsets(%dma_start3A_518 : memref<200xi32, #tpu.memory_space<vmem>>) semaphore(%arg9 : memref<!tpu.dma_semaphore, #tpu.memory_space<semaphore_mem>>)
      } else {
      }
    }
    %scan3A_125 = arith.constant 4 : i32
    %add3A_126 = arith.constant 24 : i32
    %add3A_127 = arith.addi %mul3A_2, %add3A_126 : i32
    %dma_wait3A = arith.constant 0 : i32
    %dma_wait3A_128 = arith.constant 0 : i32
    %dma_wait3A_129 = arith.constant 0 : i32
    %dma_wait3A_130 = arith.constant 0 : i32
    %dma_wait3A_131 = tpu.memref_slice %arg7[%dma_wait3A, %dma_wait3A_128, %dma_wait3A_129, %dma_wait3A_130] : memref<2x4x210x64xf32, #tpu.memory_space<vmem>> -> memref<1x4x210x64xf32, #tpu.memory_space<vmem>>
    %dma_wait3A_132 = tpu.memref_squeeze %dma_wait3A_131 : memref<1x4x210x64xf32, #tpu.memory_space<vmem>> -> memref<4x210x64xf32, #tpu.memory_space<vmem>>
    %dma_wait3A_133 = arith.constant 0 : i32
    %dma_wait3A_134 = arith.constant 0 : i32
    %dma_wait3A_135 = tpu.memref_slice %arg5[%add3A_127, %dma_wait3A_133, %dma_wait3A_134] : memref<1024x210x64xf32, #tpu.memory_space<hbm>> -> memref<4x210x64xf32, #tpu.memory_space<hbm>>
    %dma_wait3A_136 = arith.constant 0 : i32
    %dma_wait3A_137 = arith.constant 0 : i32
    %dma_wait3A_138 = tpu.memref_slice %arg5[%add3A_127, %dma_wait3A_136, %dma_wait3A_137] : memref<1024x210x64xf32, #tpu.memory_space<hbm>> -> memref<4x210x64xf32, #tpu.memory_space<hbm>>
    %dma_wait3A_139 = arith.constant 0 : i32
    %dma_wait3A_140 = arith.constant 0 : i32
    %dma_wait3A_141 = arith.constant 0 : i32
    %dma_wait3A_142 = tpu.memref_slice %arg7[%dma_wait3A, %dma_wait3A_139, %dma_wait3A_140, %dma_wait3A_141] : memref<2x4x210x64xf32, #tpu.memory_space<vmem>> -> memref<1x4x210x64xf32, #tpu.memory_space<vmem>>
    %dma_wait3A_143 = tpu.memref_squeeze %dma_wait3A_142 : memref<1x4x210x64xf32, #tpu.memory_space<vmem>> -> memref<4x210x64xf32, #tpu.memory_space<vmem>>
    tpu.wait_dma2 semaphore(%arg10 : memref<!tpu.dma_semaphore, #tpu.memory_space<semaphore_mem>>) src(%dma_wait3A_143 : memref<4x210x64xf32, #tpu.memory_space<vmem>>) dst(%dma_wait3A_138 : memref<4x210x64xf32, #tpu.memory_space<hbm>>)
    %add3A_144 = arith.constant 28 : i32
    %add3A_145 = arith.addi %mul3A_2, %add3A_144 : i32
    %dma_wait3A_146 = arith.constant 1 : i32
    %dma_wait3A_147 = arith.constant 0 : i32
    %dma_wait3A_148 = arith.constant 0 : i32
    %dma_wait3A_149 = arith.constant 0 : i32
    %dma_wait3A_150 = tpu.memref_slice %arg7[%dma_wait3A_146, %dma_wait3A_147, %dma_wait3A_148, %dma_wait3A_149] : memref<2x4x210x64xf32, #tpu.memory_space<vmem>> -> memref<1x4x210x64xf32, #tpu.memory_space<vmem>>
    %dma_wait3A_151 = tpu.memref_squeeze %dma_wait3A_150 : memref<1x4x210x64xf32, #tpu.memory_space<vmem>> -> memref<4x210x64xf32, #tpu.memory_space<vmem>>
    %dma_wait3A_152 = arith.constant 0 : i32
    %dma_wait3A_153 = arith.constant 0 : i32
    %dma_wait3A_154 = tpu.memref_slice %arg5[%add3A_145, %dma_wait3A_152, %dma_wait3A_153] : memref<1024x210x64xf32, #tpu.memory_space<hbm>> -> memref<4x210x64xf32, #tpu.memory_space<hbm>>
    %dma_wait3A_155 = arith.constant 0 : i32
    %dma_wait3A_156 = arith.constant 0 : i32
    %dma_wait3A_157 = tpu.memref_slice %arg5[%add3A_145, %dma_wait3A_155, %dma_wait3A_156] : memref<1024x210x64xf32, #tpu.memory_space<hbm>> -> memref<4x210x64xf32, #tpu.memory_space<hbm>>
    %dma_wait3A_158 = arith.constant 0 : i32
    %dma_wait3A_159 = arith.constant 0 : i32
    %dma_wait3A_160 = arith.constant 0 : i32
    %dma_wait3A_161 = tpu.memref_slice %arg7[%dma_wait3A_146, %dma_wait3A_158, %dma_wait3A_159, %dma_wait3A_160] : memref<2x4x210x64xf32, #tpu.memory_space<vmem>> -> memref<1x4x210x64xf32, #tpu.memory_space<vmem>>
    %dma_wait3A_162 = tpu.memref_squeeze %dma_wait3A_161 : memref<1x4x210x64xf32, #tpu.memory_space<vmem>> -> memref<4x210x64xf32, #tpu.memory_space<vmem>>
    tpu.wait_dma2 semaphore(%arg11 : memref<!tpu.dma_semaphore, #tpu.memory_space<semaphore_mem>>) src(%dma_wait3A_162 : memref<4x210x64xf32, #tpu.memory_space<vmem>>) dst(%dma_wait3A_157 : memref<4x210x64xf32, #tpu.memory_space<hbm>>)
    return
  }
}

</mosaic_0001>

<sc_bundles>
// kernel: kernel.3.cloned.1.call-start
scs
__scs_entry_jumppad:
0x0: {  	(pc) =	sbr.rel $0x88, $3  }
0x1: {  	(tag) =	ssettag $0x0;
	lr =	simm.s32 $0x1  }
0x2: {  	[smem:$0x3F9E] =	sst lr;
	_ =	strace $0xD0000000  }
0x3: {  	_ = 	snop  }
0x4: {  	_ = 	snop  }
0x5: {  	_ = 	snop  }
0x6: {  	_ = 	snop  }
0x7: {  	_ = 	snop  }
__scs_overlays_trampoline_lowered:
0x8: {  	[smem:$0x3FAD] =	sst s0  }
0x9: {  	[smem:$0x3FAE] =	sst s1  }
0xa: {  	[smem:$0x3FAF] =	sst s2  }
0xb: {  	[smem:$0x3FB0] =	sst s3  }
0xc: {  	[smem:$0x3FB1] =	sst s4  }
0xd: {  	[smem:$0x3FB2] =	sst s5  }
0xe: {  	[smem:$0x3FB3] =	sst s6  }
0xf: {  	[smem:$0x3FB4] =	sst s7  }
0x10: {  	[smem:$0x3FB5] =	sst s8  }
0x11: {  	[smem:$0x3FB6] =	sst s9;
	s0 =	simm.s32 @!p0 $0x0  }
0x12: {  	s1 =	sld [smem:$0x3F9C];
	s0 =	simm.s32 @p0 $0x1  }
0x13: {  	[smem:$0x3FB7] =	sst s0;
	s0 =	simm.s32 @!p1 $0x0  }
0x14: {  	s2 =	sld [smem:$0x3F9B];
	s0 =	simm.s32 @p1 $0x1  }
0x15: {  	[smem:$0x3FB8] =	sst s0;
	s0 =	simm.s32 @!p2 $0x0  }
0x16: {  	s3 =	sld [smem:$0x3FDB];
	s0 =	simm.s32 @p2 $0x1  }
0x17: {  	s4 =	simm.s32 $0x1BF5;
	[smem:$0x3FBA] =	sst s0  }
0x18: {  	s0 =	sld [smem:$0x3F9D];
	_ =	swait.ge [sflag:s4], $0x0  }
0x19: {  	s7 =	sld [smem:$0x3F9E]  }
0x1a: {  	s8 =	sadd.s32 $0xFFFFE003, lr  }
0x1b: {  	s9 =	sadd.s32 $0xFFFFFEF7, lr;
	s5 =	simm.s32 $0xFFFFFFFF;
	p2 =	slt.u32 s8, $0xFFFFF086  }
0x1c: {  	p1 =	slt.u32 s9, $0xF7A;
	s5 =	simm.s32 @!p2 $0x0  }
0x1d: {  	s5 =	simm.s32 @p1 $0x1;
	p0 =	seq.s32 s7, s2  }
0x1e: {  	s7 =	smul.u32 @!p0 $0xF7A, s2;
	p2 =	seq.s32 @!p0 s5, $0x0  }
0x1f: {  	s9 =	smul.u32 $0xF7A, s1;
	s8 =	simm.s32 @!p0 $0x1BF5;
	p2 =	por !p2, p0  }
0x20: {  	[sflag:s8] =	ssyncset.s32 @!p0 $0xFFFFF086;
	s6 =	sadd.s32 @!p0 s3, s7;
	s7 =	simm.s32 @!p0 $0x108  }
0x21: {  	s3 =	sadd.s32 s3, s9;
	s6 =	sadd.s32 @!p0 $0x88, s6;
	s7 =	simm.s32 @p2 $0x1082  }
0x22: {  	[simem:s7], [sflag:s8] =	dma.local @!p0 [hbm:s6], $0xF7A  }
0x23: {  	s9 =	sor.u32 $0xD0000000, s2;
	s6 =	simm.s32 $0x108;
	_ =	swait.ge @!p0 [sflag:s8], $0x0  }
0x24: {  	s3 =	sadd.s32 $0x88, s3;
	s6 =	simm.s32 @!p1 $0x1082;
	[sflag:s4] =	ssyncset.s32 $0xFFFFF086  }
0x25: {  	[simem:s6], [sflag:s4] =	dma.local [hbm:s3], $0xF7A  }
0x26: {  	[smem:$0x3F9E] =	sst s1;
	(tag) =	ssettag s2;
	_ =	strace s9  }
0x27: {  	s1 =	sld [smem:$0x3FAE]  }
0x28: {  	s2 =	sld [smem:$0x3FAF]  }
0x29: {  	s4 =	sld [smem:$0x3FB1]  }
0x2a: {  	p0 =	seq.s32 s5, $0x0;
	s5 =	sld [smem:$0x3FB2]  }
0x2b: {  	s6 =	sld [smem:$0x3FB3]  }
0x2c: {  	s7 =	sld [smem:$0x3FB4]  }
0x2d: {  	s3 =	simm.s32 $0x108;
	s8 =	sld [smem:$0x3FB5]  }
0x2e: {  	s3 =	simm.s32 @!p0 $0x1082;
	s9 =	sld [smem:$0x3FB6]  }
0x2f: {  	lr =	sadd.s32 s0, s3;
	s0 =	sld [smem:$0x3FAD]  }
0x30: {  	s3 =	sld [smem:$0x3FB0]  }
0x31: {  	[smem:$0x3FB9] =	sst s10  }
0x32: {  	s10 =	sld [smem:$0x3FB7];
	_ =	sdelay $0x3  }
0x33: {  	p0 =	seq.s32 s10, $0x1;
	s10 =	sld [smem:$0x3FB9];
	_ =	sdelay $0x3  }
0x34: {  	[smem:$0x3FB9] =	sst s10  }
0x35: {  	s10 =	sld [smem:$0x3FB8];
	_ =	sdelay $0x3  }
0x36: {  	p1 =	seq.s32 s10, $0x1;
	s10 =	sld [smem:$0x3FB9];
	_ =	sdelay $0x3  }
0x37: {  	[smem:$0x3FB9] =	sst s10  }
0x38: {  	s10 =	sld [smem:$0x3FBA]  }
0x39: {  	_ = 	snop;
	(pc) =	sbr.ind lr, $3  }
0x3a: {  	_ = 	snop  }
0x3b: {  	_ = 	snop  }
0x3c: {  	p2 =	seq.s32 s10, $0x1;
	s10 =	sld [smem:$0x3FB9]  }
0x3d: {  	_ =	shalt  }
0x3e: {  	_ =	shalt  }
0x3f: {  	_ =	shalt  }
0x40: {  	_ =	shalt  }
0x41: {  	_ =	shalt  }
0x42: {  	_ =	shalt  }
0x43: {  	_ =	shalt  }
0x44: {  	_ =	shalt  }
0x45: {  	_ =	shalt  }
0x46: {  	_ =	shalt  }
0x47: {  	_ =	shalt  }
0x48: {  	_ =	shalt  }
0x49: {  	_ =	shalt  }
0x4a: {  	_ =	shalt  }
0x4b: {  	_ =	shalt  }
0x4c: {  	_ =	shalt  }
0x4d: {  	_ =	shalt  }
0x4e: {  	_ =	shalt  }
0x4f: {  	_ =	shalt  }
0x50: {  	_ =	shalt  }
0x51: {  	_ =	shalt  }
0x52: {  	_ =	shalt  }
0x53: {  	_ =	shalt  }
0x54: {  	_ =	shalt  }
0x55: {  	_ =	shalt  }
0x56: {  	_ =	shalt  }
0x57: {  	_ =	shalt  }
0x58: {  	_ =	shalt  }
0x59: {  	_ =	shalt  }
0x5a: {  	_ =	shalt  }
0x5b: {  	_ =	shalt  }
0x5c: {  	_ =	shalt  }
0x5d: {  	_ =	shalt  }
0x5e: {  	_ =	shalt  }
0x5f: {  	_ =	shalt  }
0x60: {  	_ =	shalt  }
0x61: {  	_ =	shalt  }
0x62: {  	_ =	shalt  }
0x63: {  	_ =	shalt  }
0x64: {  	_ =	shalt  }
0x65: {  	_ =	shalt  }
0x66: {  	_ =	shalt  }
0x67: {  	_ =	shalt  }
0x68: {  	_ =	shalt  }
0x69: {  	_ =	shalt  }
0x6a: {  	_ =	shalt  }
0x6b: {  	_ =	shalt  }
0x6c: {  	_ =	shalt  }
0x6d: {  	_ =	shalt  }
0x6e: {  	_ =	shalt  }
0x6f: {  	_ =	shalt  }
0x70: {  	_ =	shalt  }
0x71: {  	_ =	shalt  }
0x72: {  	_ =	shalt  }
0x73: {  	_ =	shalt  }
0x74: {  	_ =	shalt  }
0x75: {  	_ =	shalt  }
0x76: {  	_ =	shalt  }
0x77: {  	_ =	shalt  }
0x78: {  	_ =	shalt  }
0x79: {  	_ =	shalt  }
0x7a: {  	_ =	shalt  }
0x7b: {  	_ =	shalt  }
0x7c: {  	_ =	shalt  }
0x7d: {  	_ =	shalt  }
0x7e: {  	_ =	shalt  }
0x7f: {  	_ =	shalt  }
0x80: {  	_ =	shalt  }
0x81: {  	_ =	shalt  }
0x82: {  	_ =	shalt  }
0x83: {  	_ =	shalt  }
0x84: {  	_ =	shalt  }
0x85: {  	_ =	shalt  }
0x86: {  	_ =	shalt  }
0x87: {  	_ =	shalt  }
.Lfunc_end0:
.L_simem_size_0:
called_computation.2_lowered:
.L_overlay_start_0:
0x88: {  	s2 =	sld [smem:$0x3FD9]  }
0x89: {  	s3 =	sld [smem:$0x3FFE];
	_ =	sdelay $0x1  }
0x8a: {  	s1 =	srdreg.scid  }
0x8b: {  	s0 =	sand.u32 $0x1, s1  }
0x8c: {  	s17 =	sshll.u32 s0, $0xA;
	s2 =	sadd.s32 s3, s2  }
0x8d: {  	s2 =	sadd.s32 s2, s17  }
0x8e: {  	[smem:$0x3FC5] =	sst s2  }
0x8f: {  	_ = 	snop  }
0x90: {  	s2 =	sld [smem:$0x3FD0];
	(tm) =	ssettm $0x1  }
0x91: {  	s18 =	sld [smem:$0x3FFB];
	_ =	sdelay $0x3  }
0x92: {  	_ =	strace s18  }
0x93: {  	s3 =	sld [smem:$0x3FFC];
	_ =	sdelay $0x3  }
0x94: {  	_ =	strace s3  }
0x95: {  	s3 =	sld [smem:$0x3FFD];
	_ =	sdelay $0x3  }
0x96: {  	_ =	strace s3  }
0x97: {  	_ =	strace $0x8FFFFFFF  }
0x98: {  	s19 =	sld [smem:$0x3FDB];
	_ =	sdelay $0x1  }
0x99: {  	s4 =	simm.s32 $_scs_section_size  }
0x9a: {  	s5 =	simm.s32 $_size__tile_overlayer_lowered;
	s6 =	simm.s32 $_tile_overlayer_lowered  }
0x9b: {  	s22 =	simm.s32 $0x1BFF;
	s21 =	sshll.u32 s6, $0x1;
	s3 =	sadd.s32 s4, s19  }
0x9c: {  	s7 =	simm.s32 $0x0;
	s20 =	sshll.u32 s5, $0x1;
	s5 =	sadd.s32 s21, s3  }
0x9d: {  	[timem:s7], [sflag:s22] =	dma.local [hbm:s5], s20  }
0x9e: {  	_ =	swait.ge [sflag:s22], s20  }
0x9f: {  	s4 =	ssub.s32 $0x0, s20;
	[sflag:s22] =	ssyncset.done $0x0  }
0xa0: {  	[sflag:s22] =	ssyncadd.s32 s4;
	_ =	sdelay $0x1  }
0xa1: {  	s23 =	simm.s32 $0x1B8B  }
0xa2: {  	_ =	swait.ge [sflag:s23], $0x1  }
0xa3: {  	[sflag:s23] =	ssyncset.done $0x0  }
0xa4: {  	s25 =	simm.s32 $0x1B8E;
	s24 =	sld [smem:$0x3FFE];
	[sflag:s23] =	ssyncadd.s32 $0xFFFFFFFF  }
0xa5: {  	s26 =	simm.s32 $execute0_lowered;
	[smem:$0x3FD2] =	sst s25  }
0xa6: {  	s5 =	sshll.u32 s26, $0x1;
	_ =	strace $0x80000049;
	[dreg:$0x1] =	wrdreg $0xFFFFFFFF  }
0xa7: {  	s28 =	simm.s32 $_size_execute0_lowered;
	s3 =	sadd.s32 s3, s5;
	[dreg:$0x0] =	wrdreg $0x0  }
0xa8: {  	s5 =	sshll.u32 s28, $0x1;
	[dreg:$0x2] =	wrdreg s3  }
0xa9: {  	[dreg:$0x3] =	wrdreg s5  }
0xaa: {  	[dreg:$0x4] =	wrdreg $0xC0  }
0xab: {  	_ =	task [dreg:s7], $0x5FFFF  }
0xac: {  	[dreg:$0x1] =	wrdreg $0xFFFFFFFF  }
0xad: {  	[dreg:$0x0] =	wrdreg $0x60  }
0xae: {  	[dreg:$0x2] =	wrdreg s24  }
0xaf: {  	[dreg:$0x3] =	wrdreg s2  }
0xb0: {  	[dreg:$0x4] =	wrdreg $0x9  }
0xb1: {  	_ =	task.clear_ibuf [dreg:s7], $0x5FFFF;
	_ =	strace $0x90000049  }
0xb2: {  	s29 =	simm.s32 $0x9;
	_ =	strace $0x8000004B  }
0xb3: {  	_ =	swait.ge [sflag:s29], $0x1  }
0xb4: {  	[sflag:s29] =	ssyncadd.s32 $0xFFFFFFFF  }
0xb5: {  	_ =	strace $0x9000004B  }
0xb6: {  	_ =	sfence  }
0xb7: {  	s30 =	sld [smem:$0x0];
	_ =	sdelay $0x2  }
0xb8: {  	s31 =	sshll.u32 s1, $0xD;
	s1 =	sshrl.u32 s1, $0x2  }
0xb9: {  	s3 =	sand.u32 $0x4000, s31;
	s1 =	sadd.s32 s1, s30  }
0xba: {  	s0 =	sor.u32 s3, s0;
	s1 =	sshll.u32 s1, $0x11  }
0xbb: {  	s0 =	sor.u32 s1, s0  }
0xbc: {  	s0 =	sadd.s32 $0x8F2B, s0  }
0xbd: {  	[sflag:s0] =	ssyncadd.remote.s32 $0x1  }
0xbe: {  	_ =	sfence.sel $0xFFFF  }
0xbf: {  	[dreg:$0x0] =	wrdreg $0xFFFFFFFF;
	(pc) =	sbr.abs _section_cstart, $3  }
0xc0: {  	[dreg:$0x1] =	wrdreg $0xFFFFFFFF  }
0xc1: {  	_ =	task.clear_ibuf [dreg:s7], $0x2FFFF;
	_ =	strace $0x9FFFFFFF  }
0xc2: {  	(tm) =	ssettm $0x7FFFFFFF  }
0xc3: {  	_ =	shalt  }
tec
execute0_lowered:
.L_overlay_start_1:
0x0: {  	(tag) =	ssettag $0x1  }
0x1: {  	s0 =	srdreg.scid  }
0x2: {  	s19 =	stileid.u32;
	s0 =	sand.u32 $0x1, s0  }
0x3: {  	s3 =	rddreg [dreg:$0x0];
	s1 =	sshll.u32 s19, $0x6;
	s2 =	sshll.u32 s0, $0x5  }
0x4: {  	s4 =	rddreg [dreg:$0x1];
	s1 =	sor.u32 s2, s1;
	s2 =	simm.s32 $0x0  }
0x5: {  	s20 =	simm.s32 $0x4D80;
	[smem:$0x7FF] =	sst s2  }
0x6: {  	s21 =	simm.s32 $0x8200;
	_ =	strace $0x8000004A;
	[dreg:$0xb] =	wrdreg s20  }
0x7: {  	s22 =	simm.s32 $0xB680;
	[dreg:$0xc] =	wrdreg s21  }
0x8: {  	s23 =	simm.s32 $0x11F80;
	[dreg:$0xd] =	wrdreg s22  }
0x9: {  	s24 =	simm.s32 $0x15400;
	s25 =	simm.s32 $0x18880;
	[dreg:$0xe] =	wrdreg s23  }
0xa: {  	s26 =	simm.s32 $0x190;
	s6 =	simm.s32 $0x320;
	[dreg:$0xf] =	wrdreg s24  }
0xb: {  	s8 =	simm.s32 $0x3E8;
	s9 =	simm.s32 $0x4B0;
	[dreg:$0x10] =	wrdreg s25  }
0xc: {  	s10 =	simm.s32 $0x578;
	s31 =	simm.s32 $0x5;
	[dreg:$0x11] =	wrdreg s26  }
0xd: {  	s11 =	simm.s32 $0x640;
	s12 =	simm.s32 $0x708;
	[dreg:$0x13] =	wrdreg s6  }
0xe: {  	p0 =	por $0x0, $0x0;
	s29 =	simm.s32 $0x1518;
	[dreg:$0x14] =	wrdreg s8  }
0xf: {  	s30 =	sadd.s32 $0xF49800, s3;
	s0 =	ssub.s32 $0x2, s0;
	[dreg:$0x15] =	wrdreg s9  }
0x10: {  	s7 =	sshrl.u32 s0, $0x1;
	s5 =	smul.u32 $0x19, s1;
	[dreg:$0x16] =	wrdreg s10  }
0x11: {  	s1 =	smul.u32 $0x690, s1;
	s0 =	ssub.s32 s0, s7;
	[dreg:$0x17] =	wrdreg s11  }
0x12: {  	s7 =	simm.s32 $0x3;
	s0 =	smax.u32 s0, $0x1;
	[dreg:$0x18] =	wrdreg s12  }
0x13: {  	s6 =	simm.s32 $0xC8;
	s10 =	simm.s32 $0x1B80;
	s20 =	simm.s32 $0xC80  }
0x14: {  	s12 =	simm.s32 $0x5000;
	s21 =	simm.s32 $0xD48;
	[dreg:$0x1f] =	wrdreg s20  }
0x15: {  	s22 =	simm.s32 $0xE10;
	s23 =	simm.s32 $0xED8;
	[smem:$0x7F8] =	sst s21  }
0x16: {  	s11 =	simm.s32 $0x1;
	s24 =	simm.s32 $0xFA0;
	[smem:$0x7F9] =	sst s22  }
0x17: {  	s9 =	simm.s32 $0x2;
	s25 =	simm.s32 $0x1068;
	[smem:$0x7FA] =	sst s23  }
0x18: {  	s26 =	simm.s32 $0x1130;
	s5 =	sadd.s32 s5, s3;
	[smem:$0x7FB] =	sst s24  }
0x19: {  	s28 =	sadd.s32 s4, s1;
	s4 =	sadd.s32 $0xF49A00, s3;
	[smem:$0x7FC] =	sst s25  }
0x1a: {  	s8 =	simm.s32 $0x4;
	[smem:$0x7FD] =	sst s26;
	s5 =	sadd.s32 $0xF43400, s5  }
0x1b: {  	s3 =	simm.s32 $0xEB00;
	s1 =	sadd.s32 $0x9D80, s28;
	[dreg:$0x3] =	wrdreg s5  }
0x1c: {  	s20 =	simm.s32 $0x11F8;
	s13 =	sadd.s32 $0xB7C0, s28;
	[dreg:$0x4] =	wrdreg s1  }
0x1d: {  	s21 =	simm.s32 $0x1388;
	s14 =	sadd.s32 $0x1A40, s28;
	[dreg:$0x5] =	wrdreg s13  }
0x1e: {  	p1 =	sne.s32 s0, $0x1;
	s15 =	sadd.s32 $0x3480, s28;
	[dreg:$0x6] =	wrdreg s14  }
0x1f: {  	s26 =	simm.s32 $0x1450;
	s16 =	sadd.s32 $0x4EC0, s28;
	[dreg:$0x7] =	wrdreg s15  }
0x20: {  	s22 =	simm.s32 $0x15E0;
	s17 =	sadd.s32 $0x6900, s28;
	[dreg:$0x8] =	wrdreg s16  }
0x21: {  	s23 =	simm.s32 $0x16A8;
	s18 =	sadd.s32 $0x8340, s28;
	[dreg:$0x9] =	wrdreg s17  }
0x22: {  	s24 =	simm.s32 $0x1770;
	[dreg:$0xa] =	wrdreg s18;
	s5 =	simm.s32 $0x258  }
0x23: {  	s25 =	simm.s32 $0x1838;
	s13 =	simm.s32 $0x7D0;
	[dreg:$0x12] =	wrdreg s5  }
0x24: {  	s14 =	simm.s32 $0x898;
	s15 =	simm.s32 $0x960;
	[dreg:$0x19] =	wrdreg s13  }
0x25: {  	s16 =	simm.s32 $0xA28;
	s17 =	simm.s32 $0xAF0;
	[dreg:$0x1a] =	wrdreg s14  }
.Ltmp0:
0x26: {  	s18 =	simm.s32 $0xBB8;
	[dreg:$0x1b] =	wrdreg s15;
	(pc) =	sbr.rel @!p1 .LBB2_1-.Ltmp0, $4  }
0x27: {  	s1 =	sadd.s32 $0xFFFFFFFF, s0;
	s5 =	simm.s32 $0x1900;
	[dreg:$0x1c] =	wrdreg s16  }
0x28: {  	s13 =	simm.s32 $0x8480;
	s15 =	simm.s32 $0xB900;
	[dreg:$0x1d] =	wrdreg s17  }
0x29: {  	s14 =	simm.s32 $0xED80;
	[dreg:$0x1e] =	wrdreg s18;
	s16 =	simm.s32 $0x12200  }
0x2a: {  	s17 =	simm.s32 $0x15680;
	s18 =	simm.s32 $0x18B00;
	s0 =	rddreg [dreg:$0x3]  }
0x2b: {  	[tilespmem:s2], [sflag:$0x5] =	stream.linear.gather [hbm4b:s0+s2], $0x1900, $0x38;
	[tilespmem:$0x1BD00] =	vst v63  }
0x2c: {  	_ =	swait.ge [sflag:s31], $0x1900  }
0x2d: {  	[sflag:s31] =	ssyncset.done $0x0  }
0x2e: {  	[sflag:s31] =	ssyncadd.s32 $0xFFFFE700  }
0x2f: {  	[tilespmem:s5], [sflag:$0x5] =	stream.linear.gather [hbm4b:s30+s2], $0x280, $0x38;
	[tilespmem:$0x1BD00] =	vst v63  }
0x30: {  	_ =	swait.ge [sflag:s31], $0x280  }
0x31: {  	[sflag:s31] =	ssyncset.done $0x0  }
0x32: {  	s19 =	rddreg [dreg:$0xb];
	[sflag:s31] =	ssyncadd.s32 $0xFFFFFD80  }
0x33: {  	[tilespmem:s19], [sflag:$0x5] =	stream.linear.gather [hbm4b:s30+s2], $0x280, $0x38;
	[tilespmem:$0x1BD00] =	vst v63  }
0x34: {  	_ =	swait.ge [sflag:s31], $0x280  }
0x35: {  	[sflag:s31] =	ssyncset.done $0x0  }
0x36: {  	s19 =	rddreg [dreg:$0xc];
	[sflag:s31] =	ssyncadd.s32 $0xFFFFFD80  }
0x37: {  	[tilespmem:s19], [sflag:$0x5] =	stream.linear.gather [hbm4b:s30+s2], $0x280, $0x38;
	[tilespmem:$0x1BD00] =	vst v63  }
0x38: {  	_ =	swait.ge [sflag:s31], $0x280  }
0x39: {  	[sflag:s31] =	ssyncset.done $0x0  }
0x3a: {  	s19 =	rddreg [dreg:$0xd];
	[sflag:s31] =	ssyncadd.s32 $0xFFFFFD80  }
0x3b: {  	[tilespmem:s19], [sflag:$0x5] =	stream.linear.gather [hbm4b:s30+s2], $0x280, $0x38;
	[tilespmem:$0x1BD00] =	vst v63  }
0x3c: {  	_ =	swait.ge [sflag:s31], $0x280  }
0x3d: {  	[sflag:s31] =	ssyncset.done $0x0  }
0x3e: {  	[sflag:s31] =	ssyncadd.s32 $0xFFFFFD80  }
0x3f: {  	[tilespmem:s3], [sflag:$0x5] =	stream.linear.gather [hbm4b:s30+s2], $0x280, $0x38;
	[tilespmem:$0x1BD00] =	vst v63  }
0x40: {  	_ =	swait.ge [sflag:s31], $0x280  }
0x41: {  	[sflag:s31] =	ssyncset.done $0x0  }
0x42: {  	s19 =	rddreg [dreg:$0xe];
	[sflag:s31] =	ssyncadd.s32 $0xFFFFFD80  }
0x43: {  	[tilespmem:s19], [sflag:$0x5] =	stream.linear.gather [hbm4b:s30+s2], $0x280, $0x38;
	[tilespmem:$0x1BD00] =	vst v63  }
0x44: {  	_ =	swait.ge [sflag:s31], $0x280  }
0x45: {  	[sflag:s31] =	ssyncset.done $0x0  }
0x46: {  	s19 =	rddreg [dreg:$0xf];
	[sflag:s31] =	ssyncadd.s32 $0xFFFFFD80  }
0x47: {  	[tilespmem:s19], [sflag:$0x5] =	stream.linear.gather [hbm4b:s30+s2], $0x280, $0x38;
	[tilespmem:$0x1BD00] =	vst v63  }
0x48: {  	_ =	swait.ge [sflag:s31], $0x280  }
0x49: {  	[sflag:s31] =	ssyncset.done $0x0  }
0x4a: {  	s19 =	rddreg [dreg:$0x10];
	[sflag:s31] =	ssyncadd.s32 $0xFFFFFD80  }
0x4b: {  	[tilespmem:s19], [sflag:$0x5] =	stream.linear.gather [hbm4b:s30+s2], $0x280, $0x38;
	[tilespmem:$0x1BD00] =	vst v63  }
0x4c: {  	_ =	swait.ge [sflag:s31], $0x280  }
0x4d: {  	[sflag:s31] =	ssyncset.done $0x0  }
0x4e: {  	[sflag:s31] =	ssyncadd.s32 $0xFFFFFD80  }
0x4f: {  	[tilespmem:s10], [sflag:$0x1] =	stream.indirect.gather [hbm4b:s4+s6], $0x40, s2, s6, $0xb8;
	[tilespmem:$0x1BD00] =	vst v63  }
0x50: {  	_ = 	snop  }
0x51: {  	[tilespmem:s12], [sflag:$0x1] =	stream.indirect.gather [hbm4b:s4+s6], $0x40, s6, s6, $0xb8;
	[tilespmem:$0x1BD00] =	vst v63  }
0x52: {  	s0 =	rddreg [dreg:$0x11]  }
0x53: {  	[tilespmem:s13], [sflag:$0x1] =	stream.indirect.gather [hbm4b:s4+s6], $0x40, s0, s6, $0xb8;
	[tilespmem:$0x1BD00] =	vst v63  }
0x54: {  	s19 =	smov.u32 s1;
	s1 =	rddreg [dreg:$0x12]  }
0x55: {  	[tilespmem:s15], [sflag:$0x1] =	stream.indirect.gather [hbm4b:s4+s6], $0x40, s1, s6, $0xb8;
	[tilespmem:$0x1BD00] =	vst v63  }
0x56: {  	s0 =	rddreg [dreg:$0x13]  }
0x57: {  	[tilespmem:s14], [sflag:$0x2] =	stream.indirect.gather [hbm4b:s4+s6], $0x40, s0, s6, $0xb8;
	[tilespmem:$0x1BD00] =	vst v63  }
0x58: {  	s1 =	rddreg [dreg:$0x14]  }
0x59: {  	[tilespmem:s16], [sflag:$0x2] =	stream.indirect.gather [hbm4b:s4+s6], $0x40, s1, s6, $0xb8;
	[tilespmem:$0x1BD00] =	vst v63  }
0x5a: {  	s0 =	rddreg [dreg:$0x15]  }
0x5b: {  	[tilespmem:s17], [sflag:$0x2] =	stream.indirect.gather [hbm4b:s4+s6], $0x40, s0, s6, $0xb8;
	[tilespmem:$0x1BD00] =	vst v63  }
0x5c: {  	s1 =	rddreg [dreg:$0x16]  }
0x5d: {  	[tilespmem:s18], [sflag:$0x2] =	stream.indirect.gather [hbm4b:s4+s6], $0x40, s1, s6, $0xb8;
	[tilespmem:$0x1BD00] =	vst v63  }
0x5e: {  	_ =	swait.ge [sflag:s11], $0x3200  }
0x5f: {  	[sflag:s11] =	ssyncset.done $0x0  }
0x60: {  	[sflag:s11] =	ssyncadd.s32 $0xFFFFCE00  }
0x61: {  	_ =	swait.ge [sflag:s11], $0x3200  }
0x62: {  	[sflag:s11] =	ssyncset.done $0x0  }
0x63: {  	[sflag:s11] =	ssyncadd.s32 $0xFFFFCE00  }
0x64: {  	_ =	swait.ge [sflag:s11], $0x3200  }
0x65: {  	[sflag:s11] =	ssyncset.done $0x0  }
0x66: {  	[sflag:s11] =	ssyncadd.s32 $0xFFFFCE00  }
0x67: {  	_ =	swait.ge [sflag:s11], $0x3200  }
0x68: {  	[sflag:s11] =	ssyncset.done $0x0  }
0x69: {  	[sflag:s11] =	ssyncadd.s32 $0xFFFFCE00  }
0x6a: {  	[hbm4b:s28+s2] =	stream.linear.scatter [tilespmem:s5], [sflag:$0x3], $0xD200, $0x38;
	[tilespmem:$0x1BD00] =	vst v63  }
0x6b: {  	_ =	swait.ge [sflag:s9], $0x3200  }
0x6c: {  	[sflag:s9] =	ssyncset.done $0x0  }
0x6d: {  	[sflag:s9] =	ssyncadd.s32 $0xFFFFCE00  }
0x6e: {  	_ =	swait.ge [sflag:s9], $0x3200  }
0x6f: {  	[sflag:s9] =	ssyncset.done $0x0  }
0x70: {  	[sflag:s9] =	ssyncadd.s32 $0xFFFFCE00  }
0x71: {  	_ =	swait.ge [sflag:s9], $0x3200  }
0x72: {  	[sflag:s9] =	ssyncset.done $0x0  }
0x73: {  	[sflag:s9] =	ssyncadd.s32 $0xFFFFCE00  }
0x74: {  	_ =	swait.ge [sflag:s9], $0x3200  }
0x75: {  	[sflag:s9] =	ssyncset.done $0x0  }
0x76: {  	s1 =	rddreg [dreg:$0x6];
	[sflag:s9] =	ssyncadd.s32 $0xFFFFCE00  }
0x77: {  	[hbm4b:s1+s2] =	stream.linear.scatter [tilespmem:s3], [sflag:$0x4], $0xD200, $0x38;
	[tilespmem:$0x1BD00] =	vst v63  }
0x78: {  	_ =	swait.ge [sflag:s7], $0xD200  }
0x79: {  	[sflag:s7] =	ssyncset.done $0x0  }
0x7a: {  	s0 =	rddreg [dreg:$0x17];
	[sflag:s7] =	ssyncadd.s32 $0xFFFF2E00  }
0x7b: {  	[tilespmem:s10], [sflag:$0x1] =	stream.indirect.gather [hbm4b:s4+s6], $0x40, s0, s6, $0xb8;
	[tilespmem:$0x1BD00] =	vst v63  }
0x7c: {  	s1 =	rddreg [dreg:$0x18]  }
0x7d: {  	[tilespmem:s12], [sflag:$0x1] =	stream.indirect.gather [hbm4b:s4+s6], $0x40, s1, s6, $0xb8;
	[tilespmem:$0x1BD00] =	vst v63  }
0x7e: {  	s0 =	rddreg [dreg:$0x19]  }
0x7f: {  	[tilespmem:s13], [sflag:$0x1] =	stream.indirect.gather [hbm4b:s4+s6], $0x40, s0, s6, $0xb8;
	[tilespmem:$0x1BD00] =	vst v63  }
0x80: {  	s1 =	rddreg [dreg:$0x1a]  }
0x81: {  	[tilespmem:s15], [sflag:$0x1] =	stream.indirect.gather [hbm4b:s4+s6], $0x40, s1, s6, $0xb8;
	[tilespmem:$0x1BD00] =	vst v63  }
0x82: {  	_ =	swait.ge [sflag:s8], $0xD200  }
0x83: {  	[sflag:s8] =	ssyncset.done $0x0  }
0x84: {  	s0 =	rddreg [dreg:$0x1b];
	[sflag:s8] =	ssyncadd.s32 $0xFFFF2E00  }
0x85: {  	[tilespmem:s14], [sflag:$0x2] =	stream.indirect.gather [hbm4b:s4+s6], $0x40, s0, s6, $0xb8;
	[tilespmem:$0x1BD00] =	vst v63  }
0x86: {  	s1 =	rddreg [dreg:$0x1c]  }
0x87: {  	[tilespmem:s16], [sflag:$0x2] =	stream.indirect.gather [hbm4b:s4+s6], $0x40, s1, s6, $0xb8;
	[tilespmem:$0x1BD00] =	vst v63  }
0x88: {  	s0 =	rddreg [dreg:$0x1d]  }
0x89: {  	[tilespmem:s17], [sflag:$0x2] =	stream.indirect.gather [hbm4b:s4+s6], $0x40, s0, s6, $0xb8;
	[tilespmem:$0x1BD00] =	vst v63  }
0x8a: {  	s1 =	rddreg [dreg:$0x1e]  }
0x8b: {  	[tilespmem:s18], [sflag:$0x2] =	stream.indirect.gather [hbm4b:s4+s6], $0x40, s1, s6, $0xb8;
	[tilespmem:$0x1BD00] =	vst v63  }
0x8c: {  	_ =	swait.ge [sflag:s11], $0x3200  }
0x8d: {  	[sflag:s11] =	ssyncset.done $0x0  }
0x8e: {  	[sflag:s11] =	ssyncadd.s32 $0xFFFFCE00  }
0x8f: {  	_ =	swait.ge [sflag:s11], $0x3200  }
0x90: {  	[sflag:s11] =	ssyncset.done $0x0  }
0x91: {  	[sflag:s11] =	ssyncadd.s32 $0xFFFFCE00  }
0x92: {  	_ =	swait.ge [sflag:s11], $0x3200  }
0x93: {  	[sflag:s11] =	ssyncset.done $0x0  }
0x94: {  	[sflag:s11] =	ssyncadd.s32 $0xFFFFCE00  }
0x95: {  	_ =	swait.ge [sflag:s11], $0x3200  }
0x96: {  	[sflag:s11] =	ssyncset.done $0x0  }
0x97: {  	s1 =	rddreg [dreg:$0x7];
	[sflag:s11] =	ssyncadd.s32 $0xFFFFCE00  }
0x98: {  	[hbm4b:s1+s2] =	stream.linear.scatter [tilespmem:s5], [sflag:$0x3], $0xD200, $0x38;
	[tilespmem:$0x1BD00] =	vst v63  }
0x99: {  	_ =	swait.ge [sflag:s9], $0x3200  }
0x9a: {  	[sflag:s9] =	ssyncset.done $0x0  }
0x9b: {  	[sflag:s9] =	ssyncadd.s32 $0xFFFFCE00  }
0x9c: {  	_ =	swait.ge [sflag:s9], $0x3200  }
0x9d: {  	[sflag:s9] =	ssyncset.done $0x0  }
0x9e: {  	[sflag:s9] =	ssyncadd.s32 $0xFFFFCE00  }
0x9f: {  	_ =	swait.ge [sflag:s9], $0x3200  }
0xa0: {  	[sflag:s9] =	ssyncset.done $0x0  }
0xa1: {  	[sflag:s9] =	ssyncadd.s32 $0xFFFFCE00  }
0xa2: {  	_ =	swait.ge [sflag:s9], $0x3200  }
0xa3: {  	[sflag:s9] =	ssyncset.done $0x0  }
0xa4: {  	s1 =	rddreg [dreg:$0x8];
	[sflag:s9] =	ssyncadd.s32 $0xFFFFCE00  }
0xa5: {  	[hbm4b:s1+s2] =	stream.linear.scatter [tilespmem:s3], [sflag:$0x4], $0xD200, $0x38;
	[tilespmem:$0x1BD00] =	vst v63  }
0xa6: {  	_ =	swait.ge [sflag:s7], $0xD200  }
0xa7: {  	s0 =	rddreg [dreg:$0x1f];
	[sflag:s7] =	ssyncset.done $0x0  }
0xa8: {  	s1 =	sld [smem:$0x7F8];
	[sflag:s7] =	ssyncadd.s32 $0xFFFF2E00  }
0xa9: {  	[tilespmem:s10], [sflag:$0x1] =	stream.indirect.gather [hbm4b:s4+s6], $0x40, s0, s6, $0xb8;
	[tilespmem:$0x1BD00] =	vst v63  }
0xaa: {  	s0 =	sld [smem:$0x7F9]  }
0xab: {  	[tilespmem:s12], [sflag:$0x1] =	stream.indirect.gather [hbm4b:s4+s6], $0x40, s1, s6, $0xb8;
	[tilespmem:$0x1BD00] =	vst v63  }
0xac: {  	s1 =	sld [smem:$0x7FA]  }
0xad: {  	[tilespmem:s13], [sflag:$0x1] =	stream.indirect.gather [hbm4b:s4+s6], $0x40, s0, s6, $0xb8;
	[tilespmem:$0x1BD00] =	vst v63  }
0xae: {  	_ = 	snop  }
0xaf: {  	[tilespmem:s15], [sflag:$0x1] =	stream.indirect.gather [hbm4b:s4+s6], $0x40, s1, s6, $0xb8;
	[tilespmem:$0x1BD00] =	vst v63  }
0xb0: {  	_ =	swait.ge [sflag:s8], $0xD200  }
0xb1: {  	s0 =	sld [smem:$0x7FB]  }
0xb2: {  	[sflag:s8] =	ssyncset.done $0x0  }
0xb3: {  	s1 =	sld [smem:$0x7FC];
	[sflag:s8] =	ssyncadd.s32 $0xFFFF2E00  }
0xb4: {  	[tilespmem:s14], [sflag:$0x2] =	stream.indirect.gather [hbm4b:s4+s6], $0x40, s0, s6, $0xb8;
	[tilespmem:$0x1BD00] =	vst v63  }
0xb5: {  	s0 =	sld [smem:$0x7FD]  }
0xb6: {  	[tilespmem:s16], [sflag:$0x2] =	stream.indirect.gather [hbm4b:s4+s6], $0x40, s1, s6, $0xb8;
	[tilespmem:$0x1BD00] =	vst v63  }
0xb7: {  	_ = 	snop  }
0xb8: {  	[tilespmem:s17], [sflag:$0x2] =	stream.indirect.gather [hbm4b:s4+s6], $0x40, s0, s6, $0xb8;
	[tilespmem:$0x1BD00] =	vst v63  }
0xb9: {  	_ = 	snop  }
0xba: {  	[tilespmem:s18], [sflag:$0x2] =	stream.indirect.gather [hbm4b:s4+s6], $0x40, s20, s6, $0xb8;
	[tilespmem:$0x1BD00] =	vst v63  }
0xbb: {  	_ =	swait.ge [sflag:s11], $0x3200  }
0xbc: {  	[sflag:s11] =	ssyncset.done $0x0  }
0xbd: {  	[sflag:s11] =	ssyncadd.s32 $0xFFFFCE00  }
0xbe: {  	_ =	swait.ge [sflag:s11], $0x3200  }
0xbf: {  	[sflag:s11] =	ssyncset.done $0x0  }
0xc0: {  	[sflag:s11] =	ssyncadd.s32 $0xFFFFCE00  }
0xc1: {  	_ =	swait.ge [sflag:s11], $0x3200  }
0xc2: {  	[sflag:s11] =	ssyncset.done $0x0  }
0xc3: {  	[sflag:s11] =	ssyncadd.s32 $0xFFFFCE00  }
0xc4: {  	_ =	swait.ge [sflag:s11], $0x3200  }
0xc5: {  	[sflag:s11] =	ssyncset.done $0x0  }
0xc6: {  	s1 =	rddreg [dreg:$0x9];
	[sflag:s11] =	ssyncadd.s32 $0xFFFFCE00  }
0xc7: {  	[hbm4b:s1+s2] =	stream.linear.scatter [tilespmem:s5], [sflag:$0x3], $0xD200, $0x38;
	[tilespmem:$0x1BD00] =	vst v63  }
0xc8: {  	_ =	swait.ge [sflag:s9], $0x3200  }
0xc9: {  	[sflag:s9] =	ssyncset.done $0x0  }
0xca: {  	[sflag:s9] =	ssyncadd.s32 $0xFFFFCE00  }
0xcb: {  	_ =	swait.ge [sflag:s9], $0x3200  }
0xcc: {  	[sflag:s9] =	ssyncset.done $0x0  }
0xcd: {  	[sflag:s9] =	ssyncadd.s32 $0xFFFFCE00  }
0xce: {  	_ =	swait.ge [sflag:s9], $0x3200  }
0xcf: {  	[sflag:s9] =	ssyncset.done $0x0  }
0xd0: {  	[sflag:s9] =	ssyncadd.s32 $0xFFFFCE00  }
0xd1: {  	_ =	swait.ge [sflag:s9], $0x3200  }
0xd2: {  	[sflag:s9] =	ssyncset.done $0x0  }
0xd3: {  	s1 =	rddreg [dreg:$0xa];
	[sflag:s9] =	ssyncadd.s32 $0xFFFFCE00  }
0xd4: {  	[hbm4b:s1+s2] =	stream.linear.scatter [tilespmem:s3], [sflag:$0x4], $0xD200, $0x38;
	[tilespmem:$0x1BD00] =	vst v63  }
0xd5: {  	_ =	swait.ge [sflag:s7], $0xD200  }
0xd6: {  	[sflag:s7] =	ssyncset.done $0x0  }
0xd7: {  	s1 =	simm.s32 $0x12C0;
	[sflag:s7] =	ssyncadd.s32 $0xFFFF2E00  }
0xd8: {  	[tilespmem:s10], [sflag:$0x1] =	stream.indirect.gather [hbm4b:s4+s6], $0x40, s1, s6, $0xb8;
	[tilespmem:$0x1BD00] =	vst v63  }
0xd9: {  	_ = 	snop  }
0xda: {  	[tilespmem:s12], [sflag:$0x1] =	stream.indirect.gather [hbm4b:s4+s6], $0x40, s21, s6, $0xb8;
	[tilespmem:$0x1BD00] =	vst v63  }
0xdb: {  	_ = 	snop  }
0xdc: {  	[tilespmem:s13], [sflag:$0x1] =	stream.indirect.gather [hbm4b:s4+s6], $0x40, s26, s6, $0xb8;
	[tilespmem:$0x1BD00] =	vst v63  }
0xdd: {  	_ = 	snop  }
0xde: {  	[tilespmem:s15], [sflag:$0x1] =	stream.indirect.gather [hbm4b:s4+s6], $0x40, s29, s6, $0xb8;
	[tilespmem:$0x1BD00] =	vst v63  }
0xdf: {  	_ =	swait.ge [sflag:s8], $0xD200  }
0xe0: {  	[sflag:s8] =	ssyncset.done $0x0  }
0xe1: {  	[sflag:s8] =	ssyncadd.s32 $0xFFFF2E00  }
0xe2: {  	[tilespmem:s14], [sflag:$0x2] =	stream.indirect.gather [hbm4b:s4+s6], $0x40, s22, s6, $0xb8;
	[tilespmem:$0x1BD00] =	vst v63  }
0xe3: {  	_ = 	snop  }
0xe4: {  	[tilespmem:s16], [sflag:$0x2] =	stream.indirect.gather [hbm4b:s4+s6], $0x40, s23, s6, $0xb8;
	[tilespmem:$0x1BD00] =	vst v63  }
0xe5: {  	_ = 	snop  }
0xe6: {  	[tilespmem:s17], [sflag:$0x2] =	stream.indirect.gather [hbm4b:s4+s6], $0x40, s24, s6, $0xb8;
	[tilespmem:$0x1BD00] =	vst v63  }
0xe7: {  	_ = 	snop  }
0xe8: {  	[tilespmem:s18], [sflag:$0x2] =	stream.indirect.gather [hbm4b:s4+s6], $0x40, s25, s6, $0xb8;
	[tilespmem:$0x1BD00] =	vst v63  }
0xe9: {  	_ =	swait.ge [sflag:s11], $0x3200  }
0xea: {  	[sflag:s11] =	ssyncset.done $0x0  }
0xeb: {  	[sflag:s11] =	ssyncadd.s32 $0xFFFFCE00  }
0xec: {  	_ =	swait.ge [sflag:s11], $0x3200  }
0xed: {  	[sflag:s11] =	ssyncset.done $0x0  }
0xee: {  	[sflag:s11] =	ssyncadd.s32 $0xFFFFCE00  }
0xef: {  	_ =	swait.ge [sflag:s11], $0x3200  }
0xf0: {  	[sflag:s11] =	ssyncset.done $0x0  }
0xf1: {  	[sflag:s11] =	ssyncadd.s32 $0xFFFFCE00  }
0xf2: {  	_ =	swait.ge [sflag:s11], $0x3200  }
0xf3: {  	[sflag:s11] =	ssyncset.done $0x0  }
0xf4: {  	s1 =	rddreg [dreg:$0x4];
	[sflag:s11] =	ssyncadd.s32 $0xFFFFCE00  }
0xf5: {  	[hbm4b:s1+s2] =	stream.linear.scatter [tilespmem:s5], [sflag:$0x3], $0xD200, $0x38;
	[tilespmem:$0x1BD00] =	vst v63  }
0xf6: {  	_ =	swait.ge [sflag:s9], $0x3200  }
0xf7: {  	[sflag:s9] =	ssyncset.done $0x0  }
0xf8: {  	[sflag:s9] =	ssyncadd.s32 $0xFFFFCE00  }
0xf9: {  	_ =	swait.ge [sflag:s9], $0x3200  }
0xfa: {  	[sflag:s9] =	ssyncset.done $0x0  }
0xfb: {  	[sflag:s9] =	ssyncadd.s32 $0xFFFFCE00  }
0xfc: {  	_ =	swait.ge [sflag:s9], $0x3200  }
0xfd: {  	[sflag:s9] =	ssyncset.done $0x0  }
0xfe: {  	[sflag:s9] =	ssyncadd.s32 $0xFFFFCE00  }
0xff: {  	_ =	swait.ge [sflag:s9], $0x3200  }
0x100: {  	[sflag:s9] =	ssyncset.done $0x0  }
0x101: {  	p1 =	sne.s32 s19, $0x1;
	s1 =	rddreg [dreg:$0x5];
	[sflag:s9] =	ssyncadd.s32 $0xFFFFCE00  }
0x102: {  	[hbm4b:s1+s2] =	stream.linear.scatter [tilespmem:s3], [sflag:$0x4], $0xD200, $0x38;
	[tilespmem:$0x1BD00] =	vst v63  }
.Ltmp1:
0x103: {  	_ =	swait.ge [sflag:s7], $0xD200;
	(pc) =	sbr.rel @!p1 .LBB2_3-.Ltmp1, $4  }
0x104: {  	[sflag:s7] =	ssyncset.done $0x0  }
0x105: {  	[sflag:s7] =	ssyncadd.s32 $0xFFFF2E00  }
0x106: {  	p0 =	por $0x1, $0x1;
	_ =	swait.ge [sflag:s8], $0xD200  }
0x107: {  	s1 =	sadd.s32 $0xFFFFFFFF, s19;
	s0 =	rddreg [dreg:$0x3];
	[sflag:s8] =	ssyncset.done $0x0  }
.LBB2_4:
0x108: {  	[sflag:s8] =	ssyncadd.s32 $0xFFFF2E00  }
0x109: {  	[tilespmem:s2], [sflag:$0x5] =	stream.linear.gather [hbm4b:s0+s2], $0x1900, $0x38;
	[tilespmem:$0x1BD00] =	vst v63  }
0x10a: {  	_ =	swait.ge [sflag:s31], $0x1900  }
0x10b: {  	[sflag:s31] =	ssyncset.done $0x0  }
0x10c: {  	[sflag:s31] =	ssyncadd.s32 $0xFFFFE700  }
0x10d: {  	[tilespmem:s5], [sflag:$0x5] =	stream.linear.gather [hbm4b:s30+s2], $0x280, $0x38;
	[tilespmem:$0x1BD00] =	vst v63  }
0x10e: {  	_ =	swait.ge [sflag:s31], $0x280  }
0x10f: {  	[sflag:s31] =	ssyncset.done $0x0  }
0x110: {  	s19 =	rddreg [dreg:$0xb];
	[sflag:s31] =	ssyncadd.s32 $0xFFFFFD80  }
0x111: {  	[tilespmem:s19], [sflag:$0x5] =	stream.linear.gather [hbm4b:s30+s2], $0x280, $0x38;
	[tilespmem:$0x1BD00] =	vst v63  }
0x112: {  	_ =	swait.ge [sflag:s31], $0x280  }
0x113: {  	[sflag:s31] =	ssyncset.done $0x0  }
0x114: {  	s19 =	rddreg [dreg:$0xc];
	[sflag:s31] =	ssyncadd.s32 $0xFFFFFD80  }
0x115: {  	[tilespmem:s19], [sflag:$0x5] =	stream.linear.gather [hbm4b:s30+s2], $0x280, $0x38;
	[tilespmem:$0x1BD00] =	vst v63  }
0x116: {  	_ =	swait.ge [sflag:s31], $0x280  }
0x117: {  	[sflag:s31] =	ssyncset.done $0x0  }
0x118: {  	s19 =	rddreg [dreg:$0xd];
	[sflag:s31] =	ssyncadd.s32 $0xFFFFFD80  }
0x119: {  	[tilespmem:s19], [sflag:$0x5] =	stream.linear.gather [hbm4b:s30+s2], $0x280, $0x38;
	[tilespmem:$0x1BD00] =	vst v63  }
0x11a: {  	_ =	swait.ge [sflag:s31], $0x280  }
0x11b: {  	[sflag:s31] =	ssyncset.done $0x0  }
0x11c: {  	[sflag:s31] =	ssyncadd.s32 $0xFFFFFD80  }
0x11d: {  	[tilespmem:s3], [sflag:$0x5] =	stream.linear.gather [hbm4b:s30+s2], $0x280, $0x38;
	[tilespmem:$0x1BD00] =	vst v63  }
0x11e: {  	_ =	swait.ge [sflag:s31], $0x280  }
0x11f: {  	[sflag:s31] =	ssyncset.done $0x0  }
0x120: {  	s19 =	rddreg [dreg:$0xe];
	[sflag:s31] =	ssyncadd.s32 $0xFFFFFD80  }
0x121: {  	[tilespmem:s19], [sflag:$0x5] =	stream.linear.gather [hbm4b:s30+s2], $0x280, $0x38;
	[tilespmem:$0x1BD00] =	vst v63  }
0x122: {  	_ =	swait.ge [sflag:s31], $0x280  }
0x123: {  	[sflag:s31] =	ssyncset.done $0x0  }
0x124: {  	s19 =	rddreg [dreg:$0xf];
	[sflag:s31] =	ssyncadd.s32 $0xFFFFFD80  }
0x125: {  	[tilespmem:s19], [sflag:$0x5] =	stream.linear.gather [hbm4b:s30+s2], $0x280, $0x38;
	[tilespmem:$0x1BD00] =	vst v63  }
0x126: {  	_ =	swait.ge [sflag:s31], $0x280  }
0x127: {  	[sflag:s31] =	ssyncset.done $0x0  }
0x128: {  	s19 =	rddreg [dreg:$0x10];
	[sflag:s31] =	ssyncadd.s32 $0xFFFFFD80  }
0x129: {  	[tilespmem:s19], [sflag:$0x5] =	stream.linear.gather [hbm4b:s30+s2], $0x280, $0x38;
	[tilespmem:$0x1BD00] =	vst v63  }
0x12a: {  	_ =	swait.ge [sflag:s31], $0x280  }
0x12b: {  	[sflag:s31] =	ssyncset.done $0x0  }
0x12c: {  	[sflag:s31] =	ssyncadd.s32 $0xFFFFFD80  }
0x12d: {  	[tilespmem:s10], [sflag:$0x1] =	stream.indirect.gather [hbm4b:s4+s6], $0x40, s2, s6, $0xb8;
	[tilespmem:$0x1BD00] =	vst v63  }
0x12e: {  	_ = 	snop  }
0x12f: {  	[tilespmem:s12], [sflag:$0x1] =	stream.indirect.gather [hbm4b:s4+s6], $0x40, s6, s6, $0xb8;
	[tilespmem:$0x1BD00] =	vst v63  }
0x130: {  	s0 =	rddreg [dreg:$0x11]  }
0x131: {  	[tilespmem:s13], [sflag:$0x1] =	stream.indirect.gather [hbm4b:s4+s6], $0x40, s0, s6, $0xb8;
	[tilespmem:$0x1BD00] =	vst v63  }
0x132: {  	s19 =	rddreg [dreg:$0x12]  }
0x133: {  	[tilespmem:s15], [sflag:$0x1] =	stream.indirect.gather [hbm4b:s4+s6], $0x40, s19, s6, $0xb8;
	[tilespmem:$0x1BD00] =	vst v63  }
0x134: {  	s0 =	rddreg [dreg:$0x13]  }
0x135: {  	[tilespmem:s14], [sflag:$0x2] =	stream.indirect.gather [hbm4b:s4+s6], $0x40, s0, s6, $0xb8;
	[tilespmem:$0x1BD00] =	vst v63  }
0x136: {  	s19 =	rddreg [dreg:$0x14]  }
0x137: {  	[tilespmem:s16], [sflag:$0x2] =	stream.indirect.gather [hbm4b:s4+s6], $0x40, s19, s6, $0xb8;
	[tilespmem:$0x1BD00] =	vst v63  }
0x138: {  	s0 =	rddreg [dreg:$0x15]  }
0x139: {  	[tilespmem:s17], [sflag:$0x2] =	stream.indirect.gather [hbm4b:s4+s6], $0x40, s0, s6, $0xb8;
	[tilespmem:$0x1BD00] =	vst v63  }
0x13a: {  	s19 =	rddreg [dreg:$0x16]  }
0x13b: {  	[tilespmem:s18], [sflag:$0x2] =	stream.indirect.gather [hbm4b:s4+s6], $0x40, s19, s6, $0xb8;
	[tilespmem:$0x1BD00] =	vst v63  }
0x13c: {  	_ =	swait.ge [sflag:s11], $0x3200  }
0x13d: {  	[sflag:s11] =	ssyncset.done $0x0  }
0x13e: {  	[sflag:s11] =	ssyncadd.s32 $0xFFFFCE00  }
0x13f: {  	_ =	swait.ge [sflag:s11], $0x3200  }
0x140: {  	[sflag:s11] =	ssyncset.done $0x0  }
0x141: {  	[sflag:s11] =	ssyncadd.s32 $0xFFFFCE00  }
0x142: {  	_ =	swait.ge [sflag:s11], $0x3200  }
0x143: {  	[sflag:s11] =	ssyncset.done $0x0  }
0x144: {  	[sflag:s11] =	ssyncadd.s32 $0xFFFFCE00  }
0x145: {  	_ =	swait.ge [sflag:s11], $0x3200  }
0x146: {  	[sflag:s11] =	ssyncset.done $0x0  }
0x147: {  	[sflag:s11] =	ssyncadd.s32 $0xFFFFCE00  }
0x148: {  	[hbm4b:s28+s2] =	stream.linear.scatter [tilespmem:s5], [sflag:$0x3], $0xD200, $0x38;
	[tilespmem:$0x1BD00] =	vst v63  }
0x149: {  	_ =	swait.ge [sflag:s9], $0x3200  }
0x14a: {  	[sflag:s9] =	ssyncset.done $0x0  }
0x14b: {  	[sflag:s9] =	ssyncadd.s32 $0xFFFFCE00  }
0x14c: {  	_ =	swait.ge [sflag:s9], $0x3200  }
0x14d: {  	[sflag:s9] =	ssyncset.done $0x0  }
0x14e: {  	[sflag:s9] =	ssyncadd.s32 $0xFFFFCE00  }
0x14f: {  	_ =	swait.ge [sflag:s9], $0x3200  }
0x150: {  	[sflag:s9] =	ssyncset.done $0x0  }
0x151: {  	[sflag:s9] =	ssyncadd.s32 $0xFFFFCE00  }
0x152: {  	_ =	swait.ge [sflag:s9], $0x3200  }
0x153: {  	[sflag:s9] =	ssyncset.done $0x0  }
0x154: {  	s19 =	rddreg [dreg:$0x6];
	[sflag:s9] =	ssyncadd.s32 $0xFFFFCE00  }
0x155: {  	[hbm4b:s19+s2] =	stream.linear.scatter [tilespmem:s3], [sflag:$0x4], $0xD200, $0x38;
	[tilespmem:$0x1BD00] =	vst v63  }
0x156: {  	_ =	swait.ge [sflag:s7], $0xD200  }
0x157: {  	[sflag:s7] =	ssyncset.done $0x0  }
0x158: {  	s0 =	rddreg [dreg:$0x17];
	[sflag:s7] =	ssyncadd.s32 $0xFFFF2E00  }
0x159: {  	[tilespmem:s10], [sflag:$0x1] =	stream.indirect.gather [hbm4b:s4+s6], $0x40, s0, s6, $0xb8;
	[tilespmem:$0x1BD00] =	vst v63  }
0x15a: {  	s19 =	rddreg [dreg:$0x18]  }
0x15b: {  	[tilespmem:s12], [sflag:$0x1] =	stream.indirect.gather [hbm4b:s4+s6], $0x40, s19, s6, $0xb8;
	[tilespmem:$0x1BD00] =	vst v63  }
0x15c: {  	s0 =	rddreg [dreg:$0x19]  }
0x15d: {  	[tilespmem:s13], [sflag:$0x1] =	stream.indirect.gather [hbm4b:s4+s6], $0x40, s0, s6, $0xb8;
	[tilespmem:$0x1BD00] =	vst v63  }
0x15e: {  	s19 =	rddreg [dreg:$0x1a]  }
0x15f: {  	[tilespmem:s15], [sflag:$0x1] =	stream.indirect.gather [hbm4b:s4+s6], $0x40, s19, s6, $0xb8;
	[tilespmem:$0x1BD00] =	vst v63  }
0x160: {  	_ =	swait.ge [sflag:s8], $0xD200  }
0x161: {  	[sflag:s8] =	ssyncset.done $0x0  }
0x162: {  	s0 =	rddreg [dreg:$0x1b];
	[sflag:s8] =	ssyncadd.s32 $0xFFFF2E00  }
0x163: {  	[tilespmem:s14], [sflag:$0x2] =	stream.indirect.gather [hbm4b:s4+s6], $0x40, s0, s6, $0xb8;
	[tilespmem:$0x1BD00] =	vst v63  }
0x164: {  	s19 =	rddreg [dreg:$0x1c]  }
0x165: {  	[tilespmem:s16], [sflag:$0x2] =	stream.indirect.gather [hbm4b:s4+s6], $0x40, s19, s6, $0xb8;
	[tilespmem:$0x1BD00] =	vst v63  }
0x166: {  	s0 =	rddreg [dreg:$0x1d]  }
0x167: {  	[tilespmem:s17], [sflag:$0x2] =	stream.indirect.gather [hbm4b:s4+s6], $0x40, s0, s6, $0xb8;
	[tilespmem:$0x1BD00] =	vst v63  }
0x168: {  	s19 =	rddreg [dreg:$0x1e]  }
0x169: {  	[tilespmem:s18], [sflag:$0x2] =	stream.indirect.gather [hbm4b:s4+s6], $0x40, s19, s6, $0xb8;
	[tilespmem:$0x1BD00] =	vst v63  }
0x16a: {  	_ =	swait.ge [sflag:s11], $0x3200  }
0x16b: {  	[sflag:s11] =	ssyncset.done $0x0  }
0x16c: {  	[sflag:s11] =	ssyncadd.s32 $0xFFFFCE00  }
0x16d: {  	_ =	swait.ge [sflag:s11], $0x3200  }
0x16e: {  	[sflag:s11] =	ssyncset.done $0x0  }
0x16f: {  	[sflag:s11] =	ssyncadd.s32 $0xFFFFCE00  }
0x170: {  	_ =	swait.ge [sflag:s11], $0x3200  }
0x171: {  	[sflag:s11] =	ssyncset.done $0x0  }
0x172: {  	[sflag:s11] =	ssyncadd.s32 $0xFFFFCE00  }
0x173: {  	_ =	swait.ge [sflag:s11], $0x3200  }
0x174: {  	[sflag:s11] =	ssyncset.done $0x0  }
0x175: {  	s19 =	rddreg [dreg:$0x7];
	[sflag:s11] =	ssyncadd.s32 $0xFFFFCE00  }
0x176: {  	[hbm4b:s19+s2] =	stream.linear.scatter [tilespmem:s5], [sflag:$0x3], $0xD200, $0x38;
	[tilespmem:$0x1BD00] =	vst v63  }
0x177: {  	_ =	swait.ge [sflag:s9], $0x3200  }
0x178: {  	[sflag:s9] =	ssyncset.done $0x0  }
0x179: {  	[sflag:s9] =	ssyncadd.s32 $0xFFFFCE00  }
0x17a: {  	_ =	swait.ge [sflag:s9], $0x3200  }
0x17b: {  	[sflag:s9] =	ssyncset.done $0x0  }
0x17c: {  	[sflag:s9] =	ssyncadd.s32 $0xFFFFCE00  }
0x17d: {  	_ =	swait.ge [sflag:s9], $0x3200  }
0x17e: {  	[sflag:s9] =	ssyncset.done $0x0  }
0x17f: {  	[sflag:s9] =	ssyncadd.s32 $0xFFFFCE00  }
0x180: {  	_ =	swait.ge [sflag:s9], $0x3200  }
0x181: {  	[sflag:s9] =	ssyncset.done $0x0  }
0x182: {  	s19 =	rddreg [dreg:$0x8];
	[sflag:s9] =	ssyncadd.s32 $0xFFFFCE00  }
0x183: {  	[hbm4b:s19+s2] =	stream.linear.scatter [tilespmem:s3], [sflag:$0x4], $0xD200, $0x38;
	[tilespmem:$0x1BD00] =	vst v63  }
0x184: {  	_ =	swait.ge [sflag:s7], $0xD200  }
0x185: {  	s0 =	rddreg [dreg:$0x1f];
	[sflag:s7] =	ssyncset.done $0x0  }
0x186: {  	s19 =	sld [smem:$0x7F8];
	[sflag:s7] =	ssyncadd.s32 $0xFFFF2E00  }
0x187: {  	[tilespmem:s10], [sflag:$0x1] =	stream.indirect.gather [hbm4b:s4+s6], $0x40, s0, s6, $0xb8;
	[tilespmem:$0x1BD00] =	vst v63  }
0x188: {  	s0 =	sld [smem:$0x7F9]  }
0x189: {  	[tilespmem:s12], [sflag:$0x1] =	stream.indirect.gather [hbm4b:s4+s6], $0x40, s19, s6, $0xb8;
	[tilespmem:$0x1BD00] =	vst v63  }
0x18a: {  	s19 =	sld [smem:$0x7FA]  }
0x18b: {  	[tilespmem:s13], [sflag:$0x1] =	stream.indirect.gather [hbm4b:s4+s6], $0x40, s0, s6, $0xb8;
	[tilespmem:$0x1BD00] =	vst v63  }
0x18c: {  	_ = 	snop  }
0x18d: {  	[tilespmem:s15], [sflag:$0x1] =	stream.indirect.gather [hbm4b:s4+s6], $0x40, s19, s6, $0xb8;
	[tilespmem:$0x1BD00] =	vst v63  }
0x18e: {  	_ =	swait.ge [sflag:s8], $0xD200  }
0x18f: {  	s0 =	sld [smem:$0x7FB]  }
0x190: {  	[sflag:s8] =	ssyncset.done $0x0  }
0x191: {  	s19 =	sld [smem:$0x7FC];
	[sflag:s8] =	ssyncadd.s32 $0xFFFF2E00  }
0x192: {  	[tilespmem:s14], [sflag:$0x2] =	stream.indirect.gather [hbm4b:s4+s6], $0x40, s0, s6, $0xb8;
	[tilespmem:$0x1BD00] =	vst v63  }
0x193: {  	s0 =	sld [smem:$0x7FD]  }
0x194: {  	[tilespmem:s16], [sflag:$0x2] =	stream.indirect.gather [hbm4b:s4+s6], $0x40, s19, s6, $0xb8;
	[tilespmem:$0x1BD00] =	vst v63  }
0x195: {  	_ = 	snop  }
0x196: {  	[tilespmem:s17], [sflag:$0x2] =	stream.indirect.gather [hbm4b:s4+s6], $0x40, s0, s6, $0xb8;
	[tilespmem:$0x1BD00] =	vst v63  }
0x197: {  	_ = 	snop  }
0x198: {  	[tilespmem:s18], [sflag:$0x2] =	stream.indirect.gather [hbm4b:s4+s6], $0x40, s20, s6, $0xb8;
	[tilespmem:$0x1BD00] =	vst v63  }
0x199: {  	_ =	swait.ge [sflag:s11], $0x3200  }
0x19a: {  	[sflag:s11] =	ssyncset.done $0x0  }
0x19b: {  	[sflag:s11] =	ssyncadd.s32 $0xFFFFCE00  }
0x19c: {  	_ =	swait.ge [sflag:s11], $0x3200  }
0x19d: {  	[sflag:s11] =	ssyncset.done $0x0  }
0x19e: {  	[sflag:s11] =	ssyncadd.s32 $0xFFFFCE00  }
0x19f: {  	_ =	swait.ge [sflag:s11], $0x3200  }
0x1a0: {  	[sflag:s11] =	ssyncset.done $0x0  }
0x1a1: {  	[sflag:s11] =	ssyncadd.s32 $0xFFFFCE00  }
0x1a2: {  	_ =	swait.ge [sflag:s11], $0x3200  }
0x1a3: {  	[sflag:s11] =	ssyncset.done $0x0  }
0x1a4: {  	s19 =	rddreg [dreg:$0x9];
	[sflag:s11] =	ssyncadd.s32 $0xFFFFCE00  }
0x1a5: {  	[hbm4b:s19+s2] =	stream.linear.scatter [tilespmem:s5], [sflag:$0x3], $0xD200, $0x38;
	[tilespmem:$0x1BD00] =	vst v63  }
0x1a6: {  	_ =	swait.ge [sflag:s9], $0x3200  }
0x1a7: {  	[sflag:s9] =	ssyncset.done $0x0  }
0x1a8: {  	[sflag:s9] =	ssyncadd.s32 $0xFFFFCE00  }
0x1a9: {  	_ =	swait.ge [sflag:s9], $0x3200  }
0x1aa: {  	[sflag:s9] =	ssyncset.done $0x0  }
0x1ab: {  	[sflag:s9] =	ssyncadd.s32 $0xFFFFCE00  }
0x1ac: {  	_ =	swait.ge [sflag:s9], $0x3200  }
0x1ad: {  	[sflag:s9] =	ssyncset.done $0x0  }
0x1ae: {  	[sflag:s9] =	ssyncadd.s32 $0xFFFFCE00  }
0x1af: {  	_ =	swait.ge [sflag:s9], $0x3200  }
0x1b0: {  	[sflag:s9] =	ssyncset.done $0x0  }
0x1b1: {  	s19 =	rddreg [dreg:$0xa];
	[sflag:s9] =	ssyncadd.s32 $0xFFFFCE00  }
0x1b2: {  	[hbm4b:s19+s2] =	stream.linear.scatter [tilespmem:s3], [sflag:$0x4], $0xD200, $0x38;
	[tilespmem:$0x1BD00] =	vst v63  }
0x1b3: {  	_ =	swait.ge [sflag:s7], $0xD200  }
0x1b4: {  	[sflag:s7] =	ssyncset.done $0x0  }
0x1b5: {  	s19 =	simm.s32 $0x12C0;
	[sflag:s7] =	ssyncadd.s32 $0xFFFF2E00  }
0x1b6: {  	[tilespmem:s10], [sflag:$0x1] =	stream.indirect.gather [hbm4b:s4+s6], $0x40, s19, s6, $0xb8;
	[tilespmem:$0x1BD00] =	vst v63  }
0x1b7: {  	_ = 	snop  }
0x1b8: {  	[tilespmem:s12], [sflag:$0x1] =	stream.indirect.gather [hbm4b:s4+s6], $0x40, s21, s6, $0xb8;
	[tilespmem:$0x1BD00] =	vst v63  }
0x1b9: {  	_ = 	snop  }
0x1ba: {  	[tilespmem:s13], [sflag:$0x1] =	stream.indirect.gather [hbm4b:s4+s6], $0x40, s26, s6, $0xb8;
	[tilespmem:$0x1BD00] =	vst v63  }
0x1bb: {  	_ = 	snop  }
0x1bc: {  	[tilespmem:s15], [sflag:$0x1] =	stream.indirect.gather [hbm4b:s4+s6], $0x40, s29, s6, $0xb8;
	[tilespmem:$0x1BD00] =	vst v63  }
0x1bd: {  	_ =	swait.ge [sflag:s8], $0xD200  }
0x1be: {  	[sflag:s8] =	ssyncset.done $0x0  }
0x1bf: {  	[sflag:s8] =	ssyncadd.s32 $0xFFFF2E00  }
0x1c0: {  	[tilespmem:s14], [sflag:$0x2] =	stream.indirect.gather [hbm4b:s4+s6], $0x40, s22, s6, $0xb8;
	[tilespmem:$0x1BD00] =	vst v63  }
0x1c1: {  	_ = 	snop  }
0x1c2: {  	[tilespmem:s16], [sflag:$0x2] =	stream.indirect.gather [hbm4b:s4+s6], $0x40, s23, s6, $0xb8;
	[tilespmem:$0x1BD00] =	vst v63  }
0x1c3: {  	_ = 	snop  }
0x1c4: {  	[tilespmem:s17], [sflag:$0x2] =	stream.indirect.gather [hbm4b:s4+s6], $0x40, s24, s6, $0xb8;
	[tilespmem:$0x1BD00] =	vst v63  }
0x1c5: {  	_ = 	snop  }
0x1c6: {  	[tilespmem:s18], [sflag:$0x2] =	stream.indirect.gather [hbm4b:s4+s6], $0x40, s25, s6, $0xb8;
	[tilespmem:$0x1BD00] =	vst v63  }
0x1c7: {  	_ =	swait.ge [sflag:s11], $0x3200  }
0x1c8: {  	[sflag:s11] =	ssyncset.done $0x0  }
0x1c9: {  	[sflag:s11] =	ssyncadd.s32 $0xFFFFCE00  }
0x1ca: {  	_ =	swait.ge [sflag:s11], $0x3200  }
0x1cb: {  	[sflag:s11] =	ssyncset.done $0x0  }
0x1cc: {  	[sflag:s11] =	ssyncadd.s32 $0xFFFFCE00  }
0x1cd: {  	_ =	swait.ge [sflag:s11], $0x3200  }
0x1ce: {  	[sflag:s11] =	ssyncset.done $0x0  }
0x1cf: {  	[sflag:s11] =	ssyncadd.s32 $0xFFFFCE00  }
0x1d0: {  	_ =	swait.ge [sflag:s11], $0x3200  }
0x1d1: {  	[sflag:s11] =	ssyncset.done $0x0  }
0x1d2: {  	s19 =	rddreg [dreg:$0x4];
	[sflag:s11] =	ssyncadd.s32 $0xFFFFCE00  }
0x1d3: {  	[hbm4b:s19+s2] =	stream.linear.scatter [tilespmem:s5], [sflag:$0x3], $0xD200, $0x38;
	[tilespmem:$0x1BD00] =	vst v63  }
0x1d4: {  	_ =	swait.ge [sflag:s9], $0x3200  }
0x1d5: {  	[sflag:s9] =	ssyncset.done $0x0  }
0x1d6: {  	[sflag:s9] =	ssyncadd.s32 $0xFFFFCE00  }
0x1d7: {  	_ =	swait.ge [sflag:s9], $0x3200  }
0x1d8: {  	[sflag:s9] =	ssyncset.done $0x0  }
0x1d9: {  	[sflag:s9] =	ssyncadd.s32 $0xFFFFCE00  }
0x1da: {  	_ =	swait.ge [sflag:s9], $0x3200  }
0x1db: {  	[sflag:s9] =	ssyncset.done $0x0  }
0x1dc: {  	[sflag:s9] =	ssyncadd.s32 $0xFFFFCE00  }
0x1dd: {  	_ =	swait.ge [sflag:s9], $0x3200  }
0x1de: {  	[sflag:s9] =	ssyncset.done $0x0  }
0x1df: {  	p1 =	sne.s32 s1, $0x1;
	s19 =	rddreg [dreg:$0x5];
	[sflag:s9] =	ssyncadd.s32 $0xFFFFCE00  }
0x1e0: {  	[hbm4b:s19+s2] =	stream.linear.scatter [tilespmem:s3], [sflag:$0x4], $0xD200, $0x38;
	[tilespmem:$0x1BD00] =	vst v63  }
.Ltmp2:
0x1e1: {  	_ =	swait.ge [sflag:s7], $0xD200;
	(pc) =	sbr.rel @p1 .LBB2_4-.Ltmp2, $4  }
0x1e2: {  	[sflag:s7] =	ssyncset.done $0x0  }
0x1e3: {  	[sflag:s7] =	ssyncadd.s32 $0xFFFF2E00  }
0x1e4: {  	_ =	swait.ge [sflag:s8], $0xD200  }
0x1e5: {  	s1 =	sadd.s32 $0xFFFFFFFF, s1;
	s0 =	rddreg [dreg:$0x3];
	[sflag:s8] =	ssyncset.done $0x0  }
0x1e6: {  	s25 =	simm.s32 $0x11F8;
	s29 =	simm.s32 $0x1518;
	s26 =	simm.s32 $0x1450  }
0x1e7: {  	s24 =	simm.s32 $0x1770;
	s23 =	simm.s32 $0x16A8;
	s22 =	simm.s32 $0x15E0  }
0x1e8: {  	s21 =	simm.s32 $0x1388;
	s20 =	simm.s32 $0x12C0;
	s19 =	stileid.u32  }
.LBB2_6:
0x1e9: {  	[sflag:s8] =	ssyncadd.s32 @p0 $0xFFFF2E00  }
0x1ea: {  	[tilespmem:s2], [sflag:$0x5] =	stream.linear.gather [hbm4b:s0+s2], $0x1900, $0x38;
	[tilespmem:$0x1BD00] =	vst v63  }
0x1eb: {  	_ =	swait.ge [sflag:s31], $0x1900  }
0x1ec: {  	[sflag:s31] =	ssyncset.done $0x0  }
0x1ed: {  	[sflag:s31] =	ssyncadd.s32 $0xFFFFE700  }
0x1ee: {  	[tilespmem:s5], [sflag:$0x5] =	stream.linear.gather [hbm4b:s30+s2], $0x280, $0x38;
	[tilespmem:$0x1BD00] =	vst v63  }
0x1ef: {  	_ =	swait.ge [sflag:s31], $0x280  }
0x1f0: {  	[sflag:s31] =	ssyncset.done $0x0  }
0x1f1: {  	s1 =	rddreg [dreg:$0xb];
	[sflag:s31] =	ssyncadd.s32 $0xFFFFFD80  }
0x1f2: {  	[tilespmem:s1], [sflag:$0x5] =	stream.linear.gather [hbm4b:s30+s2], $0x280, $0x38;
	[tilespmem:$0x1BD00] =	vst v63  }
0x1f3: {  	_ =	swait.ge [sflag:s31], $0x280  }
0x1f4: {  	[sflag:s31] =	ssyncset.done $0x0  }
0x1f5: {  	s1 =	rddreg [dreg:$0xc];
	[sflag:s31] =	ssyncadd.s32 $0xFFFFFD80  }
0x1f6: {  	[tilespmem:s1], [sflag:$0x5] =	stream.linear.gather [hbm4b:s30+s2], $0x280, $0x38;
	[tilespmem:$0x1BD00] =	vst v63  }
0x1f7: {  	_ =	swait.ge [sflag:s31], $0x280  }
0x1f8: {  	[sflag:s31] =	ssyncset.done $0x0  }
0x1f9: {  	s1 =	rddreg [dreg:$0xd];
	[sflag:s31] =	ssyncadd.s32 $0xFFFFFD80  }
0x1fa: {  	[tilespmem:s1], [sflag:$0x5] =	stream.linear.gather [hbm4b:s30+s2], $0x280, $0x38;
	[tilespmem:$0x1BD00] =	vst v63  }
0x1fb: {  	_ =	swait.ge [sflag:s31], $0x280  }
0x1fc: {  	[sflag:s31] =	ssyncset.done $0x0  }
0x1fd: {  	[sflag:s31] =	ssyncadd.s32 $0xFFFFFD80  }
0x1fe: {  	[tilespmem:s3], [sflag:$0x5] =	stream.linear.gather [hbm4b:s30+s2], $0x280, $0x38;
	[tilespmem:$0x1BD00] =	vst v63  }
0x1ff: {  	_ =	swait.ge [sflag:s31], $0x280  }
0x200: {  	[sflag:s31] =	ssyncset.done $0x0  }
0x201: {  	s1 =	rddreg [dreg:$0xe];
	[sflag:s31] =	ssyncadd.s32 $0xFFFFFD80  }
0x202: {  	[tilespmem:s1], [sflag:$0x5] =	stream.linear.gather [hbm4b:s30+s2], $0x280, $0x38;
	[tilespmem:$0x1BD00] =	vst v63  }
0x203: {  	_ =	swait.ge [sflag:s31], $0x280  }
0x204: {  	[sflag:s31] =	ssyncset.done $0x0  }
0x205: {  	s1 =	rddreg [dreg:$0xf];
	[sflag:s31] =	ssyncadd.s32 $0xFFFFFD80  }
0x206: {  	[tilespmem:s1], [sflag:$0x5] =	stream.linear.gather [hbm4b:s30+s2], $0x280, $0x38;
	[tilespmem:$0x1BD00] =	vst v63  }
0x207: {  	_ =	swait.ge [sflag:s31], $0x280  }
0x208: {  	[sflag:s31] =	ssyncset.done $0x0  }
0x209: {  	s1 =	rddreg [dreg:$0x10];
	[sflag:s31] =	ssyncadd.s32 $0xFFFFFD80  }
0x20a: {  	[tilespmem:s1], [sflag:$0x5] =	stream.linear.gather [hbm4b:s30+s2], $0x280, $0x38;
	[tilespmem:$0x1BD00] =	vst v63  }
0x20b: {  	_ =	swait.ge [sflag:s31], $0x280  }
0x20c: {  	[sflag:s31] =	ssyncset.done $0x0  }
0x20d: {  	[sflag:s31] =	ssyncadd.s32 $0xFFFFFD80  }
0x20e: {  	[tilespmem:s10], [sflag:$0x1] =	stream.indirect.gather [hbm4b:s4+s6], $0x40, s2, s6, $0xb8;
	[tilespmem:$0x1BD00] =	vst v63  }
0x20f: {  	_ = 	snop  }
0x210: {  	[tilespmem:s12], [sflag:$0x1] =	stream.indirect.gather [hbm4b:s4+s6], $0x40, s6, s6, $0xb8;
	[tilespmem:$0x1BD00] =	vst v63  }
0x211: {  	s30 =	rddreg [dreg:$0x11]  }
0x212: {  	[tilespmem:s13], [sflag:$0x1] =	stream.indirect.gather [hbm4b:s4+s6], $0x40, s30, s6, $0xb8;
	[tilespmem:$0x1BD00] =	vst v63  }
0x213: {  	s1 =	rddreg [dreg:$0x12]  }
0x214: {  	[tilespmem:s15], [sflag:$0x1] =	stream.indirect.gather [hbm4b:s4+s6], $0x40, s1, s6, $0xb8;
	[tilespmem:$0x1BD00] =	vst v63  }
0x215: {  	s31 =	rddreg [dreg:$0x13]  }
0x216: {  	[tilespmem:s14], [sflag:$0x2] =	stream.indirect.gather [hbm4b:s4+s6], $0x40, s31, s6, $0xb8;
	[tilespmem:$0x1BD00] =	vst v63  }
0x217: {  	s30 =	rddreg [dreg:$0x14]  }
0x218: {  	[tilespmem:s16], [sflag:$0x2] =	stream.indirect.gather [hbm4b:s4+s6], $0x40, s30, s6, $0xb8;
	[tilespmem:$0x1BD00] =	vst v63  }
0x219: {  	s31 =	rddreg [dreg:$0x15]  }
0x21a: {  	[tilespmem:s17], [sflag:$0x2] =	stream.indirect.gather [hbm4b:s4+s6], $0x40, s31, s6, $0xb8;
	[tilespmem:$0x1BD00] =	vst v63  }
0x21b: {  	s30 =	rddreg [dreg:$0x16]  }
0x21c: {  	[tilespmem:s18], [sflag:$0x2] =	stream.indirect.gather [hbm4b:s4+s6], $0x40, s30, s6, $0xb8;
	[tilespmem:$0x1BD00] =	vst v63  }
0x21d: {  	_ =	swait.ge [sflag:s11], $0x3200  }
0x21e: {  	[sflag:s11] =	ssyncset.done $0x0  }
0x21f: {  	[sflag:s11] =	ssyncadd.s32 $0xFFFFCE00  }
0x220: {  	_ =	swait.ge [sflag:s11], $0x3200  }
0x221: {  	[sflag:s11] =	ssyncset.done $0x0  }
0x222: {  	[sflag:s11] =	ssyncadd.s32 $0xFFFFCE00  }
0x223: {  	_ =	swait.ge [sflag:s11], $0x3200  }
0x224: {  	[sflag:s11] =	ssyncset.done $0x0  }
0x225: {  	[sflag:s11] =	ssyncadd.s32 $0xFFFFCE00  }
0x226: {  	_ =	swait.ge [sflag:s11], $0x3200  }
0x227: {  	[sflag:s11] =	ssyncset.done $0x0  }
0x228: {  	[sflag:s11] =	ssyncadd.s32 $0xFFFFCE00  }
0x229: {  	[hbm4b:s28+s2] =	stream.linear.scatter [tilespmem:s5], [sflag:$0x3], $0xD200, $0x38;
	[tilespmem:$0x1BD00] =	vst v63  }
0x22a: {  	_ =	swait.ge [sflag:s9], $0x3200  }
0x22b: {  	[sflag:s9] =	ssyncset.done $0x0  }
0x22c: {  	[sflag:s9] =	ssyncadd.s32 $0xFFFFCE00  }
0x22d: {  	_ =	swait.ge [sflag:s9], $0x3200  }
0x22e: {  	[sflag:s9] =	ssyncset.done $0x0  }
0x22f: {  	[sflag:s9] =	ssyncadd.s32 $0xFFFFCE00  }
0x230: {  	_ =	swait.ge [sflag:s9], $0x3200  }
0x231: {  	[sflag:s9] =	ssyncset.done $0x0  }
0x232: {  	[sflag:s9] =	ssyncadd.s32 $0xFFFFCE00  }
0x233: {  	_ =	swait.ge [sflag:s9], $0x3200  }
0x234: {  	[sflag:s9] =	ssyncset.done $0x0  }
0x235: {  	s31 =	rddreg [dreg:$0x6];
	[sflag:s9] =	ssyncadd.s32 $0xFFFFCE00  }
0x236: {  	[hbm4b:s31+s2] =	stream.linear.scatter [tilespmem:s3], [sflag:$0x4], $0xD200, $0x38;
	[tilespmem:$0x1BD00] =	vst v63  }
0x237: {  	_ =	swait.ge [sflag:s7], $0xD200  }
0x238: {  	[sflag:s7] =	ssyncset.done $0x0  }
0x239: {  	s1 =	rddreg [dreg:$0x17];
	[sflag:s7] =	ssyncadd.s32 $0xFFFF2E00  }
0x23a: {  	[tilespmem:s10], [sflag:$0x1] =	stream.indirect.gather [hbm4b:s4+s6], $0x40, s1, s6, $0xb8;
	[tilespmem:$0x1BD00] =	vst v63  }
0x23b: {  	s28 =	rddreg [dreg:$0x18]  }
0x23c: {  	[tilespmem:s12], [sflag:$0x1] =	stream.indirect.gather [hbm4b:s4+s6], $0x40, s28, s6, $0xb8;
	[tilespmem:$0x1BD00] =	vst v63  }
0x23d: {  	s30 =	rddreg [dreg:$0x19]  }
0x23e: {  	[tilespmem:s13], [sflag:$0x1] =	stream.indirect.gather [hbm4b:s4+s6], $0x40, s30, s6, $0xb8;
	[tilespmem:$0x1BD00] =	vst v63  }
0x23f: {  	s31 =	rddreg [dreg:$0x1a]  }
0x240: {  	[tilespmem:s15], [sflag:$0x1] =	stream.indirect.gather [hbm4b:s4+s6], $0x40, s31, s6, $0xb8;
	[tilespmem:$0x1BD00] =	vst v63  }
0x241: {  	_ =	swait.ge [sflag:s8], $0xD200  }
0x242: {  	[sflag:s8] =	ssyncset.done $0x0  }
0x243: {  	s28 =	rddreg [dreg:$0x1b];
	[sflag:s8] =	ssyncadd.s32 $0xFFFF2E00  }
0x244: {  	[tilespmem:s14], [sflag:$0x2] =	stream.indirect.gather [hbm4b:s4+s6], $0x40, s28, s6, $0xb8;
	[tilespmem:$0x1BD00] =	vst v63  }
0x245: {  	s30 =	rddreg [dreg:$0x1c]  }
0x246: {  	[tilespmem:s16], [sflag:$0x2] =	stream.indirect.gather [hbm4b:s4+s6], $0x40, s30, s6, $0xb8;
	[tilespmem:$0x1BD00] =	vst v63  }
0x247: {  	s31 =	rddreg [dreg:$0x1d]  }
0x248: {  	[tilespmem:s17], [sflag:$0x2] =	stream.indirect.gather [hbm4b:s4+s6], $0x40, s31, s6, $0xb8;
	[tilespmem:$0x1BD00] =	vst v63  }
0x249: {  	s28 =	rddreg [dreg:$0x1e]  }
0x24a: {  	[tilespmem:s18], [sflag:$0x2] =	stream.indirect.gather [hbm4b:s4+s6], $0x40, s28, s6, $0xb8;
	[tilespmem:$0x1BD00] =	vst v63  }
0x24b: {  	_ =	swait.ge [sflag:s11], $0x3200  }
0x24c: {  	[sflag:s11] =	ssyncset.done $0x0  }
0x24d: {  	[sflag:s11] =	ssyncadd.s32 $0xFFFFCE00  }
0x24e: {  	_ =	swait.ge [sflag:s11], $0x3200  }
0x24f: {  	[sflag:s11] =	ssyncset.done $0x0  }
0x250: {  	[sflag:s11] =	ssyncadd.s32 $0xFFFFCE00  }
0x251: {  	_ =	swait.ge [sflag:s11], $0x3200  }
0x252: {  	[sflag:s11] =	ssyncset.done $0x0  }
0x253: {  	[sflag:s11] =	ssyncadd.s32 $0xFFFFCE00  }
0x254: {  	_ =	swait.ge [sflag:s11], $0x3200  }
0x255: {  	[sflag:s11] =	ssyncset.done $0x0  }
0x256: {  	s30 =	rddreg [dreg:$0x7];
	[sflag:s11] =	ssyncadd.s32 $0xFFFFCE00  }
0x257: {  	[hbm4b:s30+s2] =	stream.linear.scatter [tilespmem:s5], [sflag:$0x3], $0xD200, $0x38;
	[tilespmem:$0x1BD00] =	vst v63  }
0x258: {  	_ =	swait.ge [sflag:s9], $0x3200  }
0x259: {  	[sflag:s9] =	ssyncset.done $0x0  }
0x25a: {  	[sflag:s9] =	ssyncadd.s32 $0xFFFFCE00  }
0x25b: {  	_ =	swait.ge [sflag:s9], $0x3200  }
0x25c: {  	[sflag:s9] =	ssyncset.done $0x0  }
0x25d: {  	[sflag:s9] =	ssyncadd.s32 $0xFFFFCE00  }
0x25e: {  	_ =	swait.ge [sflag:s9], $0x3200  }
0x25f: {  	[sflag:s9] =	ssyncset.done $0x0  }
0x260: {  	[sflag:s9] =	ssyncadd.s32 $0xFFFFCE00  }
0x261: {  	_ =	swait.ge [sflag:s9], $0x3200  }
0x262: {  	[sflag:s9] =	ssyncset.done $0x0  }
0x263: {  	s31 =	rddreg [dreg:$0x8];
	[sflag:s9] =	ssyncadd.s32 $0xFFFFCE00  }
0x264: {  	[hbm4b:s31+s2] =	stream.linear.scatter [tilespmem:s3], [sflag:$0x4], $0xD200, $0x38;
	[tilespmem:$0x1BD00] =	vst v63  }
0x265: {  	_ =	swait.ge [sflag:s7], $0xD200  }
0x266: {  	s1 =	rddreg [dreg:$0x1f];
	[sflag:s7] =	ssyncset.done $0x0  }
0x267: {  	s28 =	sld [smem:$0x7F8];
	[sflag:s7] =	ssyncadd.s32 $0xFFFF2E00  }
0x268: {  	[tilespmem:s10], [sflag:$0x1] =	stream.indirect.gather [hbm4b:s4+s6], $0x40, s1, s6, $0xb8;
	[tilespmem:$0x1BD00] =	vst v63  }
0x269: {  	s30 =	sld [smem:$0x7F9]  }
0x26a: {  	[tilespmem:s12], [sflag:$0x1] =	stream.indirect.gather [hbm4b:s4+s6], $0x40, s28, s6, $0xb8;
	[tilespmem:$0x1BD00] =	vst v63  }
0x26b: {  	s31 =	sld [smem:$0x7FA]  }
0x26c: {  	[tilespmem:s13], [sflag:$0x1] =	stream.indirect.gather [hbm4b:s4+s6], $0x40, s30, s6, $0xb8;
	[tilespmem:$0x1BD00] =	vst v63  }
0x26d: {  	_ = 	snop  }
0x26e: {  	[tilespmem:s15], [sflag:$0x1] =	stream.indirect.gather [hbm4b:s4+s6], $0x40, s31, s6, $0xb8;
	[tilespmem:$0x1BD00] =	vst v63  }
0x26f: {  	_ =	swait.ge [sflag:s8], $0xD200  }
0x270: {  	s28 =	sld [smem:$0x7FB]  }
0x271: {  	[sflag:s8] =	ssyncset.done $0x0  }
0x272: {  	s30 =	sld [smem:$0x7FC];
	[sflag:s8] =	ssyncadd.s32 $0xFFFF2E00  }
0x273: {  	[tilespmem:s14], [sflag:$0x2] =	stream.indirect.gather [hbm4b:s4+s6], $0x40, s28, s6, $0xb8;
	[tilespmem:$0x1BD00] =	vst v63  }
0x274: {  	s31 =	sld [smem:$0x7FD]  }
0x275: {  	[tilespmem:s16], [sflag:$0x2] =	stream.indirect.gather [hbm4b:s4+s6], $0x40, s30, s6, $0xb8;
	[tilespmem:$0x1BD00] =	vst v63  }
0x276: {  	_ = 	snop  }
0x277: {  	[tilespmem:s17], [sflag:$0x2] =	stream.indirect.gather [hbm4b:s4+s6], $0x40, s31, s6, $0xb8;
	[tilespmem:$0x1BD00] =	vst v63  }
0x278: {  	_ = 	snop  }
0x279: {  	[tilespmem:s18], [sflag:$0x2] =	stream.indirect.gather [hbm4b:s4+s6], $0x40, s25, s6, $0xb8;
	[tilespmem:$0x1BD00] =	vst v63  }
0x27a: {  	_ =	swait.ge [sflag:s11], $0x3200  }
0x27b: {  	[sflag:s11] =	ssyncset.done $0x0  }
0x27c: {  	[sflag:s11] =	ssyncadd.s32 $0xFFFFCE00  }
0x27d: {  	_ =	swait.ge [sflag:s11], $0x3200  }
0x27e: {  	[sflag:s11] =	ssyncset.done $0x0  }
0x27f: {  	[sflag:s11] =	ssyncadd.s32 $0xFFFFCE00  }
0x280: {  	_ =	swait.ge [sflag:s11], $0x3200  }
0x281: {  	[sflag:s11] =	ssyncset.done $0x0  }
0x282: {  	[sflag:s11] =	ssyncadd.s32 $0xFFFFCE00  }
0x283: {  	_ =	swait.ge [sflag:s11], $0x3200  }
0x284: {  	[sflag:s11] =	ssyncset.done $0x0  }
0x285: {  	s25 =	rddreg [dreg:$0x9];
	[sflag:s11] =	ssyncadd.s32 $0xFFFFCE00  }
0x286: {  	[hbm4b:s25+s2] =	stream.linear.scatter [tilespmem:s5], [sflag:$0x3], $0xD200, $0x38;
	[tilespmem:$0x1BD00] =	vst v63  }
0x287: {  	_ =	swait.ge [sflag:s9], $0x3200  }
0x288: {  	[sflag:s9] =	ssyncset.done $0x0  }
0x289: {  	[sflag:s9] =	ssyncadd.s32 $0xFFFFCE00  }
0x28a: {  	_ =	swait.ge [sflag:s9], $0x3200  }
0x28b: {  	[sflag:s9] =	ssyncset.done $0x0  }
0x28c: {  	[sflag:s9] =	ssyncadd.s32 $0xFFFFCE00  }
0x28d: {  	_ =	swait.ge [sflag:s9], $0x3200  }
0x28e: {  	[sflag:s9] =	ssyncset.done $0x0  }
0x28f: {  	[sflag:s9] =	ssyncadd.s32 $0xFFFFCE00  }
0x290: {  	_ =	swait.ge [sflag:s9], $0x3200  }
0x291: {  	[sflag:s9] =	ssyncset.done $0x0  }
0x292: {  	s28 =	rddreg [dreg:$0xa];
	[sflag:s9] =	ssyncadd.s32 $0xFFFFCE00  }
0x293: {  	[hbm4b:s28+s2] =	stream.linear.scatter [tilespmem:s3], [sflag:$0x4], $0xD200, $0x38;
	[tilespmem:$0x1BD00] =	vst v63  }
0x294: {  	_ =	swait.ge [sflag:s7], $0xD200  }
0x295: {  	[sflag:s7] =	ssyncset.done $0x0  }
0x296: {  	[sflag:s7] =	ssyncadd.s32 $0xFFFF2E00  }
0x297: {  	[tilespmem:s10], [sflag:$0x1] =	stream.indirect.gather [hbm4b:s4+s6], $0x40, s20, s6, $0xb8;
	[tilespmem:$0x1BD00] =	vst v63  }
0x298: {  	_ = 	snop  }
0x299: {  	[tilespmem:s12], [sflag:$0x1] =	stream.indirect.gather [hbm4b:s4+s6], $0x40, s21, s6, $0xb8;
	[tilespmem:$0x1BD00] =	vst v63  }
0x29a: {  	_ = 	snop  }
0x29b: {  	[tilespmem:s13], [sflag:$0x1] =	stream.indirect.gather [hbm4b:s4+s6], $0x40, s26, s6, $0xb8;
	[tilespmem:$0x1BD00] =	vst v63  }
0x29c: {  	_ = 	snop  }
0x29d: {  	[tilespmem:s15], [sflag:$0x1] =	stream.indirect.gather [hbm4b:s4+s6], $0x40, s29, s6, $0xb8;
	[tilespmem:$0x1BD00] =	vst v63  }
0x29e: {  	_ =	swait.ge [sflag:s8], $0xD200  }
0x29f: {  	[sflag:s8] =	ssyncset.done $0x0  }
0x2a0: {  	[sflag:s8] =	ssyncadd.s32 $0xFFFF2E00  }
0x2a1: {  	[tilespmem:s14], [sflag:$0x2] =	stream.indirect.gather [hbm4b:s4+s6], $0x40, s22, s6, $0xb8;
	[tilespmem:$0x1BD00] =	vst v63  }
0x2a2: {  	_ = 	snop  }
0x2a3: {  	[tilespmem:s16], [sflag:$0x2] =	stream.indirect.gather [hbm4b:s4+s6], $0x40, s23, s6, $0xb8;
	[tilespmem:$0x1BD00] =	vst v63  }
0x2a4: {  	_ = 	snop  }
0x2a5: {  	[tilespmem:s17], [sflag:$0x2] =	stream.indirect.gather [hbm4b:s4+s6], $0x40, s24, s6, $0xb8;
	[tilespmem:$0x1BD00] =	vst v63  }
0x2a6: {  	s29 =	simm.s32 $0x1838  }
0x2a7: {  	[tilespmem:s18], [sflag:$0x2] =	stream.indirect.gather [hbm4b:s4+s6], $0x40, s29, s6, $0xb8;
	[tilespmem:$0x1BD00] =	vst v63  }
0x2a8: {  	_ =	swait.ge [sflag:s11], $0x3200  }
0x2a9: {  	[sflag:s11] =	ssyncset.done $0x0  }
0x2aa: {  	[sflag:s11] =	ssyncadd.s32 $0xFFFFCE00  }
0x2ab: {  	_ =	swait.ge [sflag:s11], $0x3200  }
0x2ac: {  	[sflag:s11] =	ssyncset.done $0x0  }
0x2ad: {  	[sflag:s11] =	ssyncadd.s32 $0xFFFFCE00  }
0x2ae: {  	_ =	swait.ge [sflag:s11], $0x3200  }
0x2af: {  	[sflag:s11] =	ssyncset.done $0x0  }
0x2b0: {  	[sflag:s11] =	ssyncadd.s32 $0xFFFFCE00  }
0x2b1: {  	_ =	swait.ge [sflag:s11], $0x3200  }
0x2b2: {  	[sflag:s11] =	ssyncset.done $0x0  }
0x2b3: {  	s30 =	rddreg [dreg:$0x4];
	[sflag:s11] =	ssyncadd.s32 $0xFFFFCE00  }
0x2b4: {  	[hbm4b:s30+s2] =	stream.linear.scatter [tilespmem:s5], [sflag:$0x3], $0xD200, $0x38;
	[tilespmem:$0x1BD00] =	vst v63  }
0x2b5: {  	_ =	swait.ge [sflag:s9], $0x3200  }
0x2b6: {  	[sflag:s9] =	ssyncset.done $0x0  }
0x2b7: {  	[sflag:s9] =	ssyncadd.s32 $0xFFFFCE00  }
0x2b8: {  	_ =	swait.ge [sflag:s9], $0x3200  }
0x2b9: {  	[sflag:s9] =	ssyncset.done $0x0  }
0x2ba: {  	[sflag:s9] =	ssyncadd.s32 $0xFFFFCE00  }
0x2bb: {  	_ =	swait.ge [sflag:s9], $0x3200  }
0x2bc: {  	[sflag:s9] =	ssyncset.done $0x0  }
0x2bd: {  	[sflag:s9] =	ssyncadd.s32 $0xFFFFCE00  }
0x2be: {  	_ =	swait.ge [sflag:s9], $0x3200  }
0x2bf: {  	[sflag:s9] =	ssyncset.done $0x0  }
0x2c0: {  	s31 =	rddreg [dreg:$0x5];
	[sflag:s9] =	ssyncadd.s32 $0xFFFFCE00  }
0x2c1: {  	[hbm4b:s31+s2] =	stream.linear.scatter [tilespmem:s3], [sflag:$0x4], $0xD200, $0x38;
	[tilespmem:$0x1BD00] =	vst v63  }
0x2c2: {  	_ =	swait.ge [sflag:s7], $0xD200  }
0x2c3: {  	[sflag:s7] =	ssyncset.done $0x0  }
0x2c4: {  	[sflag:s7] =	ssyncadd.s32 $0xFFFF2E00  }
0x2c5: {  	_ =	swait.ge [sflag:s8], $0xD200  }
0x2c6: {  	[sflag:s8] =	ssyncset.done $0x0  }
0x2c7: {  	[sflag:s8] =	ssyncadd.s32 $0xFFFF2E00  }
0x2c8: {  	_ =	sfence.sel $0x180000  }
0x2c9: {  	[bflag:$0x0] =	sbarrier.arrive $0xFFFF  }
0x2ca: {  	_ =	strace $0x9000004A  }
0x2cb: {  	[bflag:$0x2] =	sbarrier.arrive $0xFFFF  }
0x2cc: {  	p0 =	sne.s32 s19, $0x0;
	s0 =	rddreg [dreg:$0x2]  }
0x2cd: {  	s0 =	sadd.s32 @!p0 $0x100000, s0  }
0x2ce: {  	[sflag:s0] =	ssyncadd.tile.s32 @!p0 $0x1;
	_ =	shalt  }
.LBB2_1:
.Ltmp3:
0x2cf: {  	(pc) =	sbr.rel .LBB2_6-.Ltmp3, $4  }
0x2d0: {  	_ = 	snop  }
0x2d1: {  	s25 =	simm.s32 $0x11F8;
	s29 =	simm.s32 $0x1518  }
0x2d2: {  	s26 =	simm.s32 $0x1450;
	s24 =	simm.s32 $0x1770;
	s23 =	simm.s32 $0x16A8  }
0x2d3: {  	s22 =	simm.s32 $0x15E0;
	s21 =	simm.s32 $0x1388;
	s20 =	simm.s32 $0x12C0  }
.LBB2_3:
.Ltmp4:
0x2d4: {  	(pc) =	sbr.rel .LBB2_6-.Ltmp4, $4  }
0x2d5: {  	_ = 	snop  }
0x2d6: {  	s25 =	simm.s32 $0x11F8;
	s29 =	simm.s32 $0x1518;
	s26 =	simm.s32 $0x1450  }
0x2d7: {  	s24 =	simm.s32 $0x1770;
	s23 =	simm.s32 $0x16A8;
	s22 =	simm.s32 $0x15E0  }
0x2d8: {  	s21 =	simm.s32 $0x1388;
	s20 =	simm.s32 $0x12C0;
	s19 =	stileid.u32  }
.Lfunc_end2:
_tile_overlayer_lowered:
.L_overlay_start_2:
0x2d9: {  	(tag) =	ssettag $0x2  }
0x2da: {  	s0 =	rddreg [dreg:$0x0];
	s2 =	stileid.u32  }
0x2db: {  	s1 =	rddreg [dreg:$0x1];
	p0 =	sne.s32 s2, $0x0  }
0x2dc: {  	s3 =	rddreg [dreg:$0x2];
	[bflag:$0x3] =	sbarrier.arrive $0xFFFF;
	s2 =	simm.s32 @!p0 $0x1C05  }
0x2dd: {  	[timem:s3], [sflag:s2] =	dma.local @!p0 [hbm:s0], s1  }
0x2de: {  	s0 =	simm.s32 @!p0 $0x5  }
0x2df: {  	_ =	swait.ge @!p0 [sflag:s0], s1  }
0x2e0: {  	s1 =	ssub.s32 @!p0 $0x0, s1;
	[sflag:s0] =	ssyncset.done @!p0 $0x0  }
0x2e1: {  	[sflag:s0] =	ssyncadd.s32 @!p0 s1  }
0x2e2: {  	[bflag:$0x3] =	sbarrier.arrive $0xFFFF  }
0x2e3: {  	_ =	shalt  }

// kernel: sparse-core-data-format-call.1.cloned.1.call-start
scs
called_computation.1_lowered:
.L_overlay_start_0:
0x0: {  	s2 =	sld [smem:$0x3FD9]  }
0x1: {  	s3 =	sld [smem:$0x3FFE];
	_ =	sdelay $0x1  }
0x2: {  	s1 =	srdreg.scid  }
0x3: {  	s0 =	sand.u32 $0x1, s1  }
0x4: {  	s18 =	sshll.u32 s0, $0xA;
	s2 =	sadd.s32 s3, s2  }
0x5: {  	s2 =	sadd.s32 s2, s18  }
0x6: {  	[smem:$0x3FC5] =	sst s2  }
0x7: {  	_ = 	snop  }
0x8: {  	s2 =	sld [smem:$0x3FC8];
	(tm) =	ssettm $0x1  }
0x9: {  	s19 =	sld [smem:$0x3FFB];
	_ =	sdelay $0x3  }
0xa: {  	_ =	strace s19  }
0xb: {  	s3 =	sld [smem:$0x3FFC];
	_ =	sdelay $0x3  }
0xc: {  	_ =	strace s3  }
0xd: {  	s3 =	sld [smem:$0x3FFD];
	_ =	sdelay $0x3  }
0xe: {  	_ =	strace s3  }
0xf: {  	_ =	strace $0x8FFFFFFF  }
0x10: {  	s20 =	sld [smem:$0x3FDB];
	_ =	sdelay $0x1  }
0x11: {  	s4 =	simm.s32 $_scs_section_size  }
0x12: {  	s5 =	simm.s32 $_size__tile_overlayer_lowered;
	s6 =	simm.s32 $_tile_overlayer_lowered  }
0x13: {  	s23 =	simm.s32 $0x1BFF;
	s22 =	sshll.u32 s6, $0x1;
	s3 =	sadd.s32 s4, s20  }
0x14: {  	s7 =	simm.s32 $0x0;
	s21 =	sshll.u32 s5, $0x1;
	s5 =	sadd.s32 s22, s3  }
0x15: {  	[timem:s7], [sflag:s23] =	dma.local [hbm:s5], s21  }
0x16: {  	_ =	swait.ge [sflag:s23], s21  }
0x17: {  	s4 =	ssub.s32 $0x0, s21;
	[sflag:s23] =	ssyncset.done $0x0  }
0x18: {  	[sflag:s23] =	ssyncadd.s32 s4;
	_ =	sdelay $0x1  }
0x19: {  	s24 =	simm.s32 $0x1B8B  }
0x1a: {  	_ =	swait.ge [sflag:s24], $0x1  }
0x1b: {  	[sflag:s24] =	ssyncset.done $0x0  }
0x1c: {  	s26 =	simm.s32 $0x1B8E;
	s25 =	sld [smem:$0x3FFE];
	[sflag:s24] =	ssyncadd.s32 $0xFFFFFFFF  }
0x1d: {  	s27 =	simm.s32 $execute0_lowered;
	[smem:$0x3FD2] =	sst s26  }
0x1e: {  	s5 =	sshll.u32 s27, $0x1;
	_ =	strace $0x80000046;
	[dreg:$0x1] =	wrdreg $0xFFFFFFFF  }
0x1f: {  	s28 =	simm.s32 $_size_execute0_lowered;
	s3 =	sadd.s32 s3, s5;
	[dreg:$0x0] =	wrdreg $0x0  }
0x20: {  	s5 =	sshll.u32 s28, $0x1;
	[dreg:$0x2] =	wrdreg s3  }
0x21: {  	[dreg:$0x3] =	wrdreg s5  }
0x22: {  	[dreg:$0x4] =	wrdreg $0xC0  }
0x23: {  	_ =	task [dreg:s7], $0x5FFFF  }
0x24: {  	[dreg:$0x1] =	wrdreg $0xFFFFFFFF  }
0x25: {  	[dreg:$0x0] =	wrdreg $0x60  }
0x26: {  	[dreg:$0x2] =	wrdreg s2  }
0x27: {  	[dreg:$0x3] =	wrdreg s25  }
0x28: {  	[dreg:$0x4] =	wrdreg $0x9  }
0x29: {  	_ =	task.clear_ibuf [dreg:s7], $0x5FFFF;
	_ =	strace $0x90000046  }
0x2a: {  	s29 =	simm.s32 $0x9;
	_ =	strace $0x80000048  }
0x2b: {  	_ =	swait.ge [sflag:s29], $0x1  }
0x2c: {  	[sflag:s29] =	ssyncadd.s32 $0xFFFFFFFF  }
0x2d: {  	_ =	strace $0x90000048  }
0x2e: {  	_ =	sfence  }
0x2f: {  	s30 =	sld [smem:$0x0];
	_ =	sdelay $0x2  }
0x30: {  	s31 =	sshll.u32 s1, $0xD;
	s1 =	sshrl.u32 s1, $0x2  }
0x31: {  	s3 =	sand.u32 $0x4000, s31;
	s1 =	sadd.s32 s1, s30  }
0x32: {  	s0 =	sor.u32 s3, s0;
	s1 =	sshll.u32 s1, $0x11  }
0x33: {  	s0 =	sor.u32 s1, s0  }
0x34: {  	s0 =	sadd.s32 $0x8F2B, s0  }
0x35: {  	[sflag:s0] =	ssyncadd.remote.s32 $0x1  }
0x36: {  	_ =	sfence.sel $0xFFFF  }
0x37: {  	[dreg:$0x0] =	wrdreg $0xFFFFFFFF;
	(pc) =	sbr.abs _section_cstart, $3  }
0x38: {  	[dreg:$0x1] =	wrdreg $0xFFFFFFFF  }
0x39: {  	_ =	task.clear_ibuf [dreg:s7], $0x2FFFF;
	_ =	strace $0x9FFFFFFF  }
0x3a: {  	(tm) =	ssettm $0x7FFFFFFF  }
0x3b: {  	_ =	shalt  }
tec
execute0_lowered:
.L_overlay_start_1:
0x0: {  	(tag) =	ssettag $0x1  }
0x1: {  	s0 =	srdreg.scid;
	s2 =	rddreg [dreg:$0x0]  }
0x2: {  	s5 =	rddreg [dreg:$0x1];
	s1 =	stileid.u32  }
0x3: {  	s4 =	simm.s32 $0x1;
	s6 =	simm.s32 $0x2;
	s15 =	simm.s32 $0x0  }
0x4: {  	p0 =	por $0x0, $0x0;
	s8 =	simm.s32 $0x80;
	s0 =	sshll.u32 s0, $0x4  }
0x5: {  	s14 =	simm.s32 $0x0;
	s9 =	simm.s32 $0x0;
	s3 =	sand.u32 $0x10, s0  }
.Ltmp0:
0x6: {  	s10 =	simm.s32 $0x0;
	s3 =	sor.u32 s1, s3;
	(pc) =	sbr.rel .LBB1_1-.Ltmp0, $4  }
0x7: {  	s0 =	rddreg [dreg:$0x2];
	_ =	strace $0x80000047;
	s3 =	sshll.u32 s3, $0x7  }
0x8: {  	s12 =	simm.s32 $0x0;
	[sflag:s4] =	ssyncpa.u1 $0x0;
	s7 =	ssub.s32 $0xF4200, s3  }
0x9: {  	s13 =	simm.s32 $0x0;
	[sflag:s6] =	ssyncpa.u1 $0x0;
	s6 =	sshrl.u32 s7, $0xC  }
0xa: {  	s5 =	sadd.s32 $0x1000, s5;
	s11 =	smov.u32 s3;
	s7 =	sadd.s32 $0x2, s6  }
.LBB1_5:
0xb: {  	p1 =	slt.u32 s13, $0x2  }
0xc: {  	s17 =	smov.u32 s15;
	p2 =	sgt.s32 @!p1 s15, $0xF41C0;
	s16 =	sshra.s32 @!p1 s15, $0x1F  }
0xd: {  	p3 =	sgt.s32 @!p1 s14, $0x40;
	s18 =	sshra.s32 @!p1 s14, $0x1F;
	p2 =	por !p2, p1  }
0xe: {  	s15 =	sand.u32 @!p1 s16, s15;
	p3 =	por !p3, p1;
	s16 =	smov.u32 s14  }
0xf: {  	s14 =	sand.u32 @!p1 s18, s14;
	s17 =	simm.s32 @p2 $0xF41C0;
	s16 =	simm.s32 @p3 $0x40  }
0x10: {  	s15 =	ssub.s32 @!p1 s17, s15;
	s14 =	ssub.s32 @!p1 s16, s14  }
0x11: {  	s18 =	smov.u32 s12;
	s16 =	sadd.s32 @!p1 $0xFFF0BE40, s15;
	s17 =	sadd.s32 @!p1 $0xFFFFFFC0, s14  }
0x12: {  	s15 =	ssub.s32 @!p1 $0xF4240, s15;
	p2 =	sgt.s32 @!p1 s16, $0x7F;
	p3 =	sgt.s32 @!p1 s17, $0x3F  }
0x13: {  	s14 =	ssub.s32 @!p1 $0x80, s14;
	p2 =	por !p2, p1;
	p3 =	por !p3, p1  }
0x14: {  	s16 =	sadd.s32 $0x1000, s11;
	s15 =	simm.s32 @!p2 $0x0;
	s14 =	simm.s32 @!p3 $0x0  }
0x15: {  	p2 =	sgt.s32 s16, $0xF423F;
	s14 =	smul.u32 @!p1 s14, s15;
	s15 =	sadd.s32 $0x40, s12  }
0x16: {  	s18 =	smov.u32 @p2 s15  }
0x17: {  	s16 =	smov.u32 @p2 s3;
	p2 =	sgt.s32 s18, $0x3F  }
0x18: {  	s18 =	simm.s32 @p2 $0x0;
	p2 =	sne.s32 s13, s7  }
.Ltmp1:
0x19: {  	p0 =	por !p0, !p0;
	s17 =	simm.s32 @!p1 $0x2;
	(pc) =	sbr.rel @!p2 .LBB1_6-.Ltmp1, $4  }
0x1a: {  	s15 =	smov.u32 s9;
	s9 =	smov.u32 s11;
	s14 =	sand.u32 @!p1 $0x3FFFFFFF, s14  }
0x1b: {  	s11 =	smov.u32 s16;
	_ =	swait.ge @!p1 [sflag:s17], s14;
	s19 =	ssub.s32 @!p1 $0x0, s14  }
0x1c: {  	s14 =	smov.u32 s10;
	s13 =	sadd.s32 $0x1, s13;
	[sflag:s17] =	ssyncset.done @!p1 $0x0  }
0x1d: {  	s10 =	smov.u32 s12;
	s12 =	smov.u32 s18;
	[sflag:s17] =	ssyncadd.s32 @!p1 s19  }
.LBB1_1:
0x1e: {  	p1 =	sgt.u32 s13, s6  }
0x1f: {  	s16 =	sshrl.u32 @!p1 s12, $0x3  }
0x20: {  	s17 =	sshll.u32 @!p1 s11, $0x3;
	s16 =	smul.u32 @!p1 $0x7A1400, s16  }
0x21: {  	s18 =	sshll.u32 @!p1 s12, $0x7;
	s17 =	sand.u32 @!p1 $0xFFFFFC00, s17  }
0x22: {  	s16 =	sadd.s32 @!p1 s16, s17;
	s17 =	sand.u32 @!p1 $0x380, s18  }
0x23: {  	s18 =	sand.u32 @!p1 $0x7F, s11;
	s16 =	sor.u32 @!p1 s17, s16  }
0x24: {  	s17 =	sor.u32 @!p1 s18, s16  }
0x25: {  	s18 =	smulhi.u32 @!p1 $0x218D6287, s17;
	_ =	sdelay $0x1  }
0x26: {  	s16 =	smulhi.u32 @!p1 $0x218D6287, s16;
	s18 =	sshrl.u32 @!p1 s18, $0x11  }
0x27: {  	s18 =	smul.u32 @!p1 $0xF4280, s18  }
0x28: {  	s19 =	sxor.u32 @!p1 $0xFFFFFFFF, s13;
	s16 =	sshrl.u32 @!p1 s16, $0x11  }
0x29: {  	s19 =	sshll.u32 @!p1 s19, $0xD;
	s16 =	sand.u32 @!p1 $0x3F, s16;
	s17 =	ssub.s32 @!p1 s17, s18  }
0x2a: {  	s16 =	smul.u32 @!p1 $0x1E850, s16;
	s18 =	sshrl.u32 @!p1 s17, $0x3;
	s17 =	sand.u32 @!p1 $0x7, s17  }
0x2b: {  	s19 =	sand.u32 @!p1 $0x2000, s19;
	s18 =	sadd.s32 @!p1 s2, s18;
	s17 =	sshll.u32 @!p1 s17, $0x12  }
0x2c: {  	s16 =	sadd.s32 @!p1 s16, s18;
	s17 =	sor.u32 @!p1 $0x400, s17;
	s18 =	simm.s32 @!p1 $0x7A1400  }
0x2d: {  	[tilespmem:s19], [sflag:$0x1] =	stream.strided.gather @!p1 [hbm4b:s16+s17], $0x2000, s18, s17, $0x38;
	[tilespmem:$0x8100] =	vst v63  }
0x2e: {  	p1 =	seq.s32 s13, $0x0  }
0x2f: {  	p2 =	sge.u32 @!p1 s13, s7  }
0x30: {  	p1 =	por p1, p2  }
.Ltmp2:
0x31: {  	_ = 	snop;
	(pc) =	sbr.rel @p1 .LBB1_5-.Ltmp2, $1  }
0x32: {  	_ =	sdelay $0x3  }
0x33: {  	s16 =	simm.s32 $0x1  }
0x34: {  	_ =	swait.ge [sflag:s4], $0x2000;
	s16 =	simm.s32 @!p0 $0x0  }
0x35: {  	[sflag:s4] =	ssyncset.done $0x0;
	s17 =	sshll.u32 s16, $0xD  }
0x36: {  	[sflag:s4] =	ssyncadd.s32 $0xFFFFE000;
	s17 =	sor.u32 $0x40, s17  }
0x37: {  	s16 =	smul.u32 $0x8200, s16;
	v0 =	vld [tilespmem:s17+$0x30]  }
0x38: {  	v1 =	vld [tilespmem:s17+$0xFFFFFFD0]  }
0x39: {  	s16 =	sshrl.u32 s16, $0x2;
	v5 =	vld [tilespmem:s17+$0xFFFFFFE0]  }
0x3a: {  	v6 =	vld [tilespmem:s17+$0xFFFFFFF0];
	s19 =	sor.u32 $0x4000, s16  }
0x3b: {  	s31 =	sand.u32 $0x1, s13;
	v4 =	vld [tilespmem:s17+$0x0];
	s18 =	sadd.s32 $0x0, s19  }
0x3c: {  	v3 =	vld [tilespmem:s17+$0x10];
	s16 =	smul.u32 $0x8200, s31;
	[tilespmem:s18+$0x1C70 ss:$0x41] =	vst.msk $0xffff, v0  }
0x3d: {  	v2 =	vld [tilespmem:s17+$0x20];
	[tilespmem:s18+$0x410 ss:$0x41] =	vst.msk $0xffff, v1  }
0x3e: {  	s16 =	sshrl.u32 s16, $0x2;
	v1 =	vld [tilespmem:s17+$0xFFFFFFC0];
	[tilespmem:s18+$0x820 ss:$0x41] =	vst.msk $0xffff, v5;
	s17 =	sadd.s32 $0x80, s17  }
0x3f: {  	s20 =	simm.s32 $0x4;
	s21 =	simm.s32 $0x8;
	s16 =	sor.u32 $0x4000, s16;
	[tilespmem:s18+$0xC30 ss:$0x41] =	vst.msk $0xffff, v6;
	v0 =	vld [tilespmem:s17+$0x30]  }
.LBB1_3:
0x40: {  	p1 =	sne.s32 s21, $0xFC;
	v5 =	vld [tilespmem:s17+$0xFFFFFFD0];
	[tilespmem:s18+$0x1040 ss:$0x41] =	vst.msk $0xffff, v4  }
0x41: {  	v6 =	vld [tilespmem:s17+$0xFFFFFFE0];
	[tilespmem:s18+$0x1450 ss:$0x41] =	vst.msk $0xffff, v3  }
0x42: {  	s22 =	sshra.s32 s20, $0x2;
	s20 =	smov.u32 s21;
	v7 =	vld [tilespmem:s17+$0xFFFFFFF0];
	[tilespmem:s18+$0x1860 ss:$0x41] =	vst.msk $0xffff, v2  }
.Ltmp3:
0x43: {  	v4 =	vld [tilespmem:s17+$0x0];
	[tilespmem:s18+$0x0 ss:$0x41] =	vst.msk $0xffff, v1;
	s18 =	sadd.s32 s22, s19;
	(pc) =	sbr.rel @p1 .LBB1_3-.Ltmp3, $4  }
0x44: {  	v3 =	vld [tilespmem:s17+$0x10];
	[tilespmem:s18+$0x1C70 ss:$0x41] =	vst.msk $0xffff, v0  }
0x45: {  	[tilespmem:s18+$0x410 ss:$0x41] =	vst.msk $0xffff, v5;
	v2 =	vld [tilespmem:s17+$0x20]  }
0x46: {  	v1 =	vld [tilespmem:s17+$0xFFFFFFC0];
	[tilespmem:s18+$0x820 ss:$0x41] =	vst.msk $0xffff, v6;
	s17 =	sadd.s32 $0x80, s17  }
0x47: {  	s21 =	sadd.s32 $0x4, s21;
	v0 =	vld [tilespmem:s17+$0x30];
	[tilespmem:s18+$0xC30 ss:$0x41] =	vst.msk $0xffff, v7  }
0x48: {  	s21 =	sshll.u32 s9, $0x7;
	s22 =	sshll.u32 s10, $0x3;
	s20 =	sshra.s32 s20, $0x2  }
0x49: {  	p1 =	sgt.s32 s9, $0xF41C0;
	s30 =	sshra.s32 s9, $0x1F;
	s25 =	sshra.s32 s10, $0x1F  }
0x4a: {  	v5 =	vld [tilespmem:s17+$0xFFFFFFD0];
	s28 =	sshrl.u32 s10, $0x3;
	s23 =	sand.u32 $0xFFFFFC00, s21;
	s22 =	sand.u32 $0xFFFFFC00, s22  }
0x4b: {  	[tilespmem:s18+$0x1040 ss:$0x41] =	vst.msk $0xffff, v4;
	v58 =	vld [tilespmem:s17+$0xFFFFFFE0];
	s21 =	sand.u32 $0x380, s21;
	s19 =	sadd.s32 s20, s19;
	s22 =	sadd.s32 s22, s23  }
0x4c: {  	v59 =	vld [tilespmem:s17+$0xFFFFFFF0];
	[tilespmem:s18+$0x1450 ss:$0x41] =	vst.msk $0xffff, v3;
	s29 =	sor.u32 s21, s22;
	s21 =	smov.u32 s9;
	s22 =	sand.u32 s30, s9  }
0x4d: {  	v60 =	vld [tilespmem:s17+$0x0];
	[tilespmem:s18+$0x1860 ss:$0x41] =	vst.msk $0xffff, v2;
	s30 =	sand.u32 $0x7, s10;
	s20 =	sshrl.u32 s29, $0x7;
	s21 =	simm.s32 @!p1 $0xF41C0  }
0x4e: {  	v61 =	vld [tilespmem:s17+$0x10];
	[tilespmem:s18+$0x0 ss:$0x41] =	vst.msk $0xffff, v1;
	p1 =	sgt.s32 s10, $0x40;
	s24 =	ssub.s32 s21, s22;
	s21 =	smov.u32 s10  }
0x4f: {  	v62 =	vld [tilespmem:s17+$0x20];
	[tilespmem:s19+$0x1C70 ss:$0x41] =	vst.msk $0xffff, v0;
	s31 =	smulhi.u32 $0x218DEF5, s20;
	s22 =	sand.u32 s25, s10;
	s21 =	simm.s32 @!p1 $0x40  }
0x50: {  	v63 =	vld [tilespmem:s17+$0xFFFFFFC0];
	[tilespmem:s19+$0x410 ss:$0x41] =	vst.msk $0xffff, v5;
	s26 =	sadd.s32 $0xFFF0BE40, s24;
	s17 =	ssub.s32 $0xF4240, s24;
	s21 =	ssub.s32 s21, s22  }
0x51: {  	[tilespmem:s19+$0x820 ss:$0x41] =	vst.msk $0xffff, v58;
	s23 =	sshrl.u32 s31, $0xD;
	p1 =	sgt.s32 s26, $0x7F;
	s27 =	sadd.s32 $0xFFFFFFC0, s21  }
0x52: {  	[tilespmem:s19+$0xC30 ss:$0x41] =	vst.msk $0xffff, v59;
	s23 =	smul.u32 $0xF4240, s23;
	s18 =	ssub.s32 $0x80, s21;
	p2 =	sgt.s32 s27, $0x3F  }
.Ltmp4:
0x53: {  	[tilespmem:s19+$0x1040 ss:$0x41] =	vst.msk $0xffff, v60;
	s17 =	simm.s32 @p1 $0x0;
	s18 =	simm.s32 @p2 $0x0;
	(pc) =	sbr.rel .LBB1_5-.Ltmp4, $4  }
0x54: {  	s29 =	sand.u32 $0xF, s28;
	[tilespmem:s19+$0x1450 ss:$0x41] =	vst.msk $0xffff, v61;
	s20 =	ssub.s32 s20, s23;
	s17 =	smul.u32 s18, s17  }
0x55: {  	[tilespmem:s19+$0x1860 ss:$0x41] =	vst.msk $0xffff, v62;
	s21 =	sshll.u32 s30, $0x12;
	s20 =	sshll.u32 s20, $0x4;
	s18 =	sadd.s32 s5, s29  }
0x56: {  	[tilespmem:s19+$0x0 ss:$0x41] =	vst.msk $0xffff, v63;
	s31 =	sor.u32 $0x40, s21;
	s18 =	sadd.s32 s20, s18;
	s17 =	sand.u32 $0x3FFFFFFF, s17  }
0x57: {  	[hbm4b:s18+s31] =	stream.strided.scatter [tilespmem:s16], [sflag:$0x2], s17, s8, s31, $0x18;
	[tilespmem:$0x8100] =	vst v63  }
.LBB1_6:
0x58: {  	_ =	sfence.sel $0x180000  }
0x59: {  	s2 =	simm.s32 $0x1;
	[bflag:$0x0] =	sbarrier.arrive $0xFFFF  }
0x5a: {  	s31 =	simm.s32 $0x2;
	[sflag:s2] =	ssyncpa.u1 $0x1  }
0x5b: {  	[sflag:s31] =	ssyncpa.u1 $0x1  }
0x5c: {  	p0 =	sne.s32 s1, $0x0;
	_ =	strace $0x90000047  }
0x5d: {  	s0 =	sadd.s32 @!p0 $0x100000, s0;
	[bflag:$0x2] =	sbarrier.arrive $0xFFFF  }
0x5e: {  	[sflag:s0] =	ssyncadd.tile.s32 @!p0 $0x1;
	_ =	shalt  }
.Lfunc_end1:
_tile_overlayer_lowered:
.L_overlay_start_2:
0x5f: {  	(tag) =	ssettag $0x2  }
0x60: {  	s0 =	rddreg [dreg:$0x0];
	s2 =	stileid.u32  }
0x61: {  	s1 =	rddreg [dreg:$0x1];
	p0 =	sne.s32 s2, $0x0  }
0x62: {  	s3 =	rddreg [dreg:$0x2];
	[bflag:$0x3] =	sbarrier.arrive $0xFFFF;
	s2 =	simm.s32 @!p0 $0x1C01  }
0x63: {  	[timem:s3], [sflag:s2] =	dma.local @!p0 [hbm:s0], s1  }
0x64: {  	s0 =	simm.s32 @!p0 $0x1  }
0x65: {  	_ =	swait.ge @!p0 [sflag:s0], s1  }
0x66: {  	s1 =	ssub.s32 @!p0 $0x0, s1;
	[sflag:s0] =	ssyncset.done @!p0 $0x0  }
0x67: {  	[sflag:s0] =	ssyncadd.s32 @!p0 s1  }
0x68: {  	[bflag:$0x3] =	sbarrier.arrive $0xFFFF  }
0x69: {  	_ =	shalt  }

// kernel: sparse-core-data-format-call.cloned.1.call-start
scs
called_computation_lowered:
.L_overlay_start_0:
0x0: {  	s2 =	sld [smem:$0x3FD9]  }
0x1: {  	s3 =	sld [smem:$0x3FFE];
	_ =	sdelay $0x1  }
0x2: {  	s1 =	srdreg.scid  }
0x3: {  	s0 =	sand.u32 $0x1, s1  }
0x4: {  	s18 =	sshll.u32 s0, $0xA;
	s2 =	sadd.s32 s3, s2  }
0x5: {  	s2 =	sadd.s32 s2, s18  }
0x6: {  	[smem:$0x3FC5] =	sst s2  }
0x7: {  	_ = 	snop  }
0x8: {  	s2 =	sld [smem:$0x3FD0];
	(tm) =	ssettm $0x1  }
0x9: {  	s19 =	sld [smem:$0x3FFB];
	_ =	sdelay $0x3  }
0xa: {  	_ =	strace s19  }
0xb: {  	s3 =	sld [smem:$0x3FFC];
	_ =	sdelay $0x3  }
0xc: {  	_ =	strace s3  }
0xd: {  	s3 =	sld [smem:$0x3FFD];
	_ =	sdelay $0x3  }
0xe: {  	_ =	strace s3  }
0xf: {  	_ =	strace $0x8FFFFFFF  }
0x10: {  	s20 =	sld [smem:$0x3FDB];
	_ =	sdelay $0x1  }
0x11: {  	s4 =	simm.s32 $_scs_section_size  }
0x12: {  	s5 =	simm.s32 $_size__tile_overlayer_lowered;
	s6 =	simm.s32 $_tile_overlayer_lowered  }
0x13: {  	s23 =	simm.s32 $0x1BFF;
	s22 =	sshll.u32 s6, $0x1;
	s3 =	sadd.s32 s4, s20  }
0x14: {  	s7 =	simm.s32 $0x0;
	s21 =	sshll.u32 s5, $0x1;
	s5 =	sadd.s32 s22, s3  }
0x15: {  	[timem:s7], [sflag:s23] =	dma.local [hbm:s5], s21  }
0x16: {  	_ =	swait.ge [sflag:s23], s21  }
0x17: {  	s4 =	ssub.s32 $0x0, s21;
	[sflag:s23] =	ssyncset.done $0x0  }
0x18: {  	[sflag:s23] =	ssyncadd.s32 s4;
	_ =	sdelay $0x1  }
0x19: {  	s24 =	simm.s32 $0x1B8B  }
0x1a: {  	_ =	swait.ge [sflag:s24], $0x1  }
0x1b: {  	[sflag:s24] =	ssyncset.done $0x0  }
0x1c: {  	s26 =	simm.s32 $0x1B8E;
	s25 =	sld [smem:$0x3FFE];
	[sflag:s24] =	ssyncadd.s32 $0xFFFFFFFF  }
0x1d: {  	s27 =	simm.s32 $execute0_lowered;
	[smem:$0x3FD2] =	sst s26  }
0x1e: {  	s5 =	sshll.u32 s27, $0x1;
	_ =	strace $0x8000004C;
	[dreg:$0x1] =	wrdreg $0xFFFFFFFF  }
0x1f: {  	s28 =	simm.s32 $_size_execute0_lowered;
	s3 =	sadd.s32 s3, s5;
	[dreg:$0x0] =	wrdreg $0x0  }
0x20: {  	s5 =	sshll.u32 s28, $0x1;
	[dreg:$0x2] =	wrdreg s3  }
0x21: {  	[dreg:$0x3] =	wrdreg s5  }
0x22: {  	[dreg:$0x4] =	wrdreg $0xC0  }
0x23: {  	_ =	task [dreg:s7], $0x5FFFF  }
0x24: {  	[dreg:$0x1] =	wrdreg $0xFFFFFFFF  }
0x25: {  	[dreg:$0x0] =	wrdreg $0x60  }
0x26: {  	[dreg:$0x2] =	wrdreg s25  }
0x27: {  	[dreg:$0x3] =	wrdreg s2  }
0x28: {  	[dreg:$0x4] =	wrdreg $0x9  }
0x29: {  	_ =	task.clear_ibuf [dreg:s7], $0x5FFFF;
	_ =	strace $0x9000004C  }
0x2a: {  	s29 =	simm.s32 $0x9;
	_ =	strace $0x8000004E  }
0x2b: {  	_ =	swait.ge [sflag:s29], $0x1  }
0x2c: {  	[sflag:s29] =	ssyncadd.s32 $0xFFFFFFFF  }
0x2d: {  	_ =	strace $0x9000004E  }
0x2e: {  	_ =	sfence  }
0x2f: {  	s30 =	sld [smem:$0x0];
	_ =	sdelay $0x2  }
0x30: {  	s31 =	sshll.u32 s1, $0xD;
	s1 =	sshrl.u32 s1, $0x2  }
0x31: {  	s3 =	sand.u32 $0x4000, s31;
	s1 =	sadd.s32 s1, s30  }
0x32: {  	s0 =	sor.u32 s3, s0;
	s1 =	sshll.u32 s1, $0x11  }
0x33: {  	s0 =	sor.u32 s1, s0  }
0x34: {  	s0 =	sadd.s32 $0x8F2B, s0  }
0x35: {  	[sflag:s0] =	ssyncadd.remote.s32 $0x1  }
0x36: {  	_ =	sfence.sel $0xFFFF  }
0x37: {  	[dreg:$0x0] =	wrdreg $0xFFFFFFFF;
	(pc) =	sbr.abs _section_cstart, $3  }
0x38: {  	[dreg:$0x1] =	wrdreg $0xFFFFFFFF  }
0x39: {  	_ =	task.clear_ibuf [dreg:s7], $0x2FFFF;
	_ =	strace $0x9FFFFFFF  }
0x3a: {  	(tm) =	ssettm $0x7FFFFFFF  }
0x3b: {  	_ =	shalt  }
tec
execute0_lowered:
.L_overlay_start_1:
0x0: {  	(tag) =	ssettag $0x1  }
0x1: {  	s0 =	stileid.u32  }
0x2: {  	s7 =	rddreg [dreg:$0x0];
	s1 =	srdreg.scid  }
0x3: {  	s2 =	rddreg [dreg:$0x1];
	s31 =	simm.s32 $0x2;
	s13 =	simm.s32 $0x0  }
0x4: {  	s14 =	simm.s32 $0x0;
	s3 =	sshll.u32 s0, $0x7;
	s4 =	sshll.u32 s1, $0x4  }
0x5: {  	s12 =	simm.s32 $0x0;
	s3 =	sand.u32 $0x380, s3;
	s4 =	sand.u32 $0x10, s4  }
0x6: {  	s1 =	rddreg [dreg:$0x2];
	s5 =	ssub.s32 $0x400, s3;
	s4 =	sor.u32 s0, s4  }
0x7: {  	_ =	strace $0x8000004D;
	s6 =	sand.u32 $0x380, s5;
	s4 =	sshrl.u32 s4, $0x3  }
0x8: {  	s8 =	sshrl.u32 s5, $0xA;
	p0 =	sne.s32 s6, $0x0;
	s6 =	simm.s32 $0x1  }
.Ltmp0:
0x9: {  	s9 =	ssub.s32 $0xD5, s4;
	s6 =	simm.s32 @!p0 $0x0;
	(pc) =	sbr.rel .LBB1_1-.Ltmp0, $4  }
0xa: {  	s5 =	simm.s32 $0x1;
	s30 =	sshrl.u32 s9, $0x2;
	s6 =	sadd.s32 s6, s8  }
0xb: {  	s7 =	sadd.s32 $0x1000, s7;
	[sflag:s5] =	ssyncpa.u1 $0x0;
	s6 =	smul.u32 s30, s6  }
0xc: {  	s11 =	smov.u32 s3;
	s10 =	smov.u32 s4;
	[sflag:s31] =	ssyncpa.u1 $0x0  }
0xd: {  	p0 =	por $0x0, $0x0;
	s9 =	simm.s32 $0x2000;
	s8 =	sadd.s32 $0x1, s6  }
.LBB1_4:
0xe: {  	s17 =	sand.u32 $0x1F80, s14;
	s13 =	sshll.u32 s13, $0xD  }
0xf: {  	[tilespmem:s16+$0x810 ss:$0x81] =	vst.msk $0xffff, v2;
	s18 =	sshrl.u32 s14, $0x3;
	s31 =	sand.u32 $0x7, s14;
	s17 =	sadd.s32 s2, s17  }
0x10: {  	[tilespmem:s16+$0x1020 ss:$0x81] =	vst.msk $0xffff, v0;
	s18 =	sand.u32 $0xF, s18;
	s14 =	sshll.u32 s31, $0x12;
	s13 =	sadd.s32 s13, s17  }
0x11: {  	[tilespmem:s16+$0x0 ss:$0x81] =	vst.msk $0xffff, v1;
	s14 =	sor.u32 $0x400, s14;
	s13 =	sadd.s32 s18, s13  }
0x12: {  	[hbm4b:s13+s14] =	stream.strided.scatter [tilespmem:s15], [sflag:$0x2], $0x2000, s9, s14, $0x20;
	[tilespmem:$0x8080] =	vst v63  }
.LBB1_5:
0x13: {  	s15 =	sadd.s32 $0x4, s10  }
0x14: {  	s13 =	sadd.s32 $0x400, s11;
	s17 =	smov.u32 s11;
	p2 =	sgt.s32 s15, $0xD1  }
0x15: {  	s17 =	smov.u32 @p2 s13  }
0x16: {  	s15 =	smov.u32 @p2 s4;
	p2 =	sgt.s32 s17, $0x3FF  }
0x17: {  	s17 =	smov.u32 @p2 s3;
	p2 =	sne.s32 s12, s8  }
.Ltmp1:
0x18: {  	p1 =	slt.u32 s12, $0x2;
	(pc) =	sbr.rel @!p2 .LBB1_6-.Ltmp1, $4  }
0x19: {  	s16 =	simm.s32 @!p1 $0x2  }
0x1a: {  	s14 =	smov.u32 s11;
	p0 =	por !p0, !p0;
	_ =	swait.ge @!p1 [sflag:s16], $0x2000  }
0x1b: {  	s13 =	smov.u32 s10;
	[sflag:s16] =	ssyncset.done @!p1 $0x0;
	s10 =	smov.u32 s15  }
0x1c: {  	s12 =	sadd.s32 $0x1, s12;
	[sflag:s16] =	ssyncadd.s32 @!p1 $0xFFFFE000;
	s11 =	smov.u32 s17  }
.LBB1_1:
0x1d: {  	p1 =	sge.u32 s12, s6  }
0x1e: {  	s15 =	sand.u32 @!p1 $0x1FFFFFF, s10  }
0x1f: {  	s16 =	smulhi.u32 @!p1 $0x12F684C, s15;
	_ =	sdelay $0x1  }
0x20: {  	s16 =	smul.u32 @!p1 $0xD8, s16  }
0x21: {  	s17 =	sxor.u32 @!p1 $0xFFFFFFFF, s12;
	s18 =	smul.u32 @!p1 $0xD80, s11  }
0x22: {  	s31 =	sadd.s32 $0xFFFFFFFF, s12;
	s17 =	sshll.u32 @!p1 s17, $0xD;
	s15 =	ssub.s32 @!p1 s15, s16  }
0x23: {  	s16 =	sand.u32 @!p1 $0x2000, s17;
	s17 =	sadd.s32 @!p1 s7, s18;
	s15 =	sshll.u32 @!p1 s15, $0x4  }
0x24: {  	s18 =	simm.s32 @!p1 $0x6C00;
	s15 =	sadd.s32 @!p1 s15, s17;
	s17 =	simm.s32 @!p1 $0x40  }
0x25: {  	[tilespmem:s16], [sflag:$0x1] =	stream.strided.gather @!p1 [hbm4b:s15+s17], $0x2000, s18, s17, $0x38;
	[tilespmem:$0x8080] =	vst v63  }
0x26: {  	p1 =	sge.u32 s31, s6  }
.Ltmp2:
0x27: {  	_ = 	snop;
	(pc) =	sbr.rel @p1 .LBB1_5-.Ltmp2, $1  }
0x28: {  	_ =	sdelay $0x3  }
0x29: {  	s15 =	simm.s32 $0x1  }
0x2a: {  	_ =	swait.ge [sflag:s5], $0x2000;
	s15 =	simm.s32 @!p0 $0x0  }
0x2b: {  	[sflag:s5] =	ssyncset.done $0x0;
	s16 =	sshll.u32 s15, $0xD  }
0x2c: {  	[sflag:s5] =	ssyncadd.s32 $0xFFFFE000;
	s19 =	sor.u32 $0x20, s16  }
0x2d: {  	s15 =	smul.u32 $0x8100, s15;
	v3 =	vld [tilespmem:s19+$0x10]  }
0x2e: {  	s30 =	sand.u32 $0x1, s12;
	v2 =	vld [tilespmem:s19+$0xFFFFFFF0]  }
0x2f: {  	s16 =	smul.u32 $0x8100, s30;
	s15 =	sshrl.u32 s15, $0x2;
	v0 =	vld [tilespmem:s19+$0x0]  }
0x30: {  	v1 =	vld [tilespmem:s19+$0xFFFFFFE0];
	s17 =	sor.u32 $0x4000, s15  }
0x31: {  	s31 =	sshrl.u32 s16, $0x2;
	s16 =	sadd.s32 $0x0, s17  }
0x32: {  	s18 =	simm.s32 $0x4;
	s19 =	sadd.s32 $0x40, s19;
	s15 =	sor.u32 $0x4000, s31;
	[tilespmem:s16+$0x1830 ss:$0x81] =	vst.msk $0xffff, v3  }
.LBB1_3:
0x33: {  	v3 =	vld [tilespmem:s19+$0x10];
	p1 =	sne.s32 s18, $0x1FC;
	[tilespmem:s16+$0x810 ss:$0x81] =	vst.msk $0xffff, v2;
	s20 =	smov.u32 s18;
	s18 =	sadd.s32 $0x4, s18  }
.Ltmp3:
0x34: {  	v2 =	vld [tilespmem:s19+$0xFFFFFFF0];
	[tilespmem:s16+$0x1020 ss:$0x81] =	vst.msk $0xffff, v0;
	(pc) =	sbr.rel @p1 .LBB1_3-.Ltmp3, $4  }
0x35: {  	v0 =	vld [tilespmem:s19+$0x0];
	[tilespmem:s16+$0x0 ss:$0x81] =	vst.msk $0xffff, v1  }
0x36: {  	s16 =	sshra.s32 s20, $0x2;
	v1 =	vld [tilespmem:s19+$0xFFFFFFE0]  }
0x37: {  	s16 =	sadd.s32 s16, s17  }
0x38: {  	s19 =	sadd.s32 $0x40, s19;
	[tilespmem:s16+$0x1830 ss:$0x81] =	vst.msk $0xffff, v3  }
.Ltmp4:
0x39: {  	_ = 	snop;
	(pc) =	sbr.rel .LBB1_4-.Ltmp4, $1  }
0x3a: {  	_ =	sdelay $0x3  }
.LBB1_6:
0x3b: {  	_ =	sfence.sel $0x180000  }
0x3c: {  	s2 =	simm.s32 $0x1;
	[bflag:$0x0] =	sbarrier.arrive $0xFFFF  }
0x3d: {  	s31 =	simm.s32 $0x2;
	[sflag:s2] =	ssyncpa.u1 $0x1  }
0x3e: {  	[sflag:s31] =	ssyncpa.u1 $0x1  }
0x3f: {  	p0 =	sne.s32 s0, $0x0;
	_ =	strace $0x9000004D  }
0x40: {  	s0 =	sadd.s32 @!p0 $0x100000, s1;
	[bflag:$0x2] =	sbarrier.arrive $0xFFFF  }
0x41: {  	[sflag:s0] =	ssyncadd.tile.s32 @!p0 $0x1;
	_ =	shalt  }
.Lfunc_end1:
_tile_overlayer_lowered:
.L_overlay_start_2:
0x42: {  	(tag) =	ssettag $0x2  }
0x43: {  	s0 =	rddreg [dreg:$0x0];
	s2 =	stileid.u32  }
0x44: {  	s1 =	rddreg [dreg:$0x1];
	p0 =	sne.s32 s2, $0x0  }
0x45: {  	s3 =	rddreg [dreg:$0x2];
	[bflag:$0x3] =	sbarrier.arrive $0xFFFF;
	s2 =	simm.s32 @!p0 $0x1C01  }
0x46: {  	[timem:s3], [sflag:s2] =	dma.local @!p0 [hbm:s0], s1  }
0x47: {  	s0 =	simm.s32 @!p0 $0x1  }
0x48: {  	_ =	swait.ge @!p0 [sflag:s0], s1  }
0x49: {  	s1 =	ssub.s32 @!p0 $0x0, s1;
	[sflag:s0] =	ssyncset.done @!p0 $0x0  }
0x4a: {  	[sflag:s0] =	ssyncadd.s32 @!p0 s1  }
0x4b: {  	[bflag:$0x3] =	sbarrier.arrive $0xFFFF  }
0x4c: {  	_ =	shalt  }

</sc_bundles>
